<compile_context>
chip_gen: v7x
topology: tpu7x:2x2x1
jax: 0.10.2.dev20260603
libtpu: 0.0.44.dev20260713+nightly
codegen_flags: <defaults>
</compile_context>

<pallas_src>
import functools

import jax
import jax.numpy as jnp
from jax import lax
from jax.experimental import pallas as pl
from jax.experimental.pallas import tpu as pltpu
from jax.experimental.pallas import tpu_sc as plsc

_B, _N = 64, 32768
_K1 = int(0.01 * (_N - 1)) + 1
_NVEC = _N // 16
_CAP = 32000
_MASK31 = 0x7FFFFFFF
_TAU = 0x40000000


def _sc_select_body(logits_hbm, out_hbm, row0_v, row1_v, cand0_v, cand1_v,
                    ebuf_v, sem):
    wid = lax.axis_index("s") * 2 + lax.axis_index("c")
    r0 = wid * 2
    keys_hbm = logits_hbm.bitcast(jnp.int32)
    pltpu.sync_copy(keys_hbm.at[r0], row0_v)
    h1 = pltpu.async_copy(keys_hbm.at[r0 + 1], row1_v, sem)

    def screen(row_v, cand_v):
        @plsc.parallel_loop(0, _NVEC, unroll=8, carry=jnp.int32(0))
        def off(i, o):
            b = row_v[pl.ds(i * 16, 16)]
            k = b ^ ((b >> 31) & _MASK31)
            m = k >= _TAU
            plsc.store_compressed(cand_v.at[pl.ds(o, 16)], k,
                                  mask=m & (o < _CAP))
            return o + plsc.all_reduce_population_count(m)[0]

        return off

    off0 = screen(row0_v, cand0_v)
    h1.wait()
    off1 = screen(row1_v, cand1_v)

    pad = jnp.full((16,), -2147483648, jnp.int32)

    for r_i, (row_v, cand_v, off) in enumerate(
            [(row0_v, cand0_v, off0), (row1_v, cand1_v, off1)]):

        def fast_path(_, cand_v=cand_v, off=off):
            cand_v[pl.ds(off, 16)] = pad
            nv = (off + 15) // 16

            def outer(j, res):
                cnd = res + (jnp.int32(1) << (jnp.int32(29) - j))

                @plsc.parallel_loop(0, nv, unroll=4,
                                    carry=jnp.zeros((16,), jnp.int32))
                def acc(i, a, cnd=cnd, cand_v=cand_v):
                    key = cand_v[pl.ds(i * 16, 16)]
                    return a + jnp.where(key >= cnd, 1, 0).astype(jnp.int32)

                return jnp.where(jnp.sum(acc) >= _K1, cnd, res)

            return lax.fori_loop(0, 30, outer, jnp.int32(_TAU))

        def slow_path(_, row_v=row_v):
            def outer(j, res):
                cnd = res + (jnp.int32(1) << (jnp.int32(30) - j))

                @plsc.parallel_loop(0, _NVEC, unroll=4,
                                    carry=jnp.zeros((16,), jnp.int32))
                def acc(i, a, cnd=cnd, row_v=row_v):
                    b = row_v[pl.ds(i * 16, 16)]
                    key = b ^ ((b >> 31) & _MASK31)
                    return a + jnp.where(key >= cnd, 1, 0).astype(jnp.int32)

                return jnp.where(jnp.sum(acc) >= _K1, cnd, res)

            return lax.fori_loop(0, 31, outer, jnp.int32(-2147483648))

        ok = (off >= _K1) & (off <= _CAP)
        tcode = lax.cond(ok, fast_path, slow_path, jnp.int32(0))
        ebuf_v[pl.ds(0, 16)] = jnp.full((16,), tcode)
        pltpu.sync_copy(ebuf_v, out_hbm.at[r0 + r_i])


def _tc_stats_body(logits_ref, tgt_ref, m_ref, pos_ref):
    x = logits_ref[...]
    m_ref[...] = jnp.max(x, axis=1, keepdims=True)
    cols = lax.broadcasted_iota(jnp.int32, (_B, _N), 1)
    pos_ref[...] = jnp.sum(jnp.where(cols == tgt_ref[...], x, 0.0), axis=1,
                           keepdims=True)


def _tc_finish_body(logits_ref, tcode_ref, m_ref, pos_ref, out_ref):
    x = logits_ref[...]
    b = lax.bitcast_convert_type(x, jnp.int32)
    key = b ^ ((b >> 31) & _MASK31)
    tcode = tcode_ref[:, 0:1]
    m = m_ref[...]
    pos = pos_ref[...]

    gt = key > tcode
    c = jnp.sum(gt.astype(jnp.int32), axis=1, keepdims=True)
    tsum = jnp.sum(jnp.where(gt, jnp.exp(10.0 * (x - m)), 0.0), axis=1,
                   keepdims=True)

    tb = tcode ^ ((tcode >> 31) & _MASK31)
    t = lax.bitcast_convert_type(tb, jnp.float32)
    et = jnp.exp(10.0 * (t - m))
    ep = jnp.exp(10.0 * (pos - m))
    s = tsum + (_K1 - c).astype(jnp.float32) * et + jnp.where(
        pos < t, ep - et, 0.0)
    loss = jnp.log(s) + 10.0 * m - 10.0 * pos
    out_ref[0, 0] = jnp.sum(loss) / _B


@jax.jit
def kernel(logits, targets):
    mesh = plsc.VectorSubcoreMesh(core_axis_name="c", subcore_axis_name="s")
    sc = functools.partial(
        pl.kernel,
        mesh=mesh,
        compiler_params=pltpu.CompilerParams(needs_layout_passes=False),
        out_type=jax.ShapeDtypeStruct((_B, 16), jnp.int32),
        scratch_types=[
            pltpu.VMEM((_N,), jnp.int32),
            pltpu.VMEM((_N,), jnp.int32),
            pltpu.VMEM((_CAP + 16,), jnp.int32),
            pltpu.VMEM((_CAP + 16,), jnp.int32),
            pltpu.VMEM((16,), jnp.int32),
            pltpu.SemaphoreType.DMA,
        ],
    )(_sc_select_body)
    tcodes = sc(logits)

    m, pos = pl.pallas_call(
        _tc_stats_body,
        out_shape=[
            jax.ShapeDtypeStruct((_B, 1), jnp.float32),
            jax.ShapeDtypeStruct((_B, 1), jnp.float32),
        ],
        in_specs=[
            pl.BlockSpec(memory_space=pltpu.VMEM),
            pl.BlockSpec(memory_space=pltpu.VMEM),
        ],
        out_specs=[
            pl.BlockSpec(memory_space=pltpu.VMEM),
            pl.BlockSpec(memory_space=pltpu.VMEM),
        ],
    )(logits, targets.reshape(_B, 1).astype(jnp.int32))

    out = pl.pallas_call(
        _tc_finish_body,
        out_shape=jax.ShapeDtypeStruct((1, 1), jnp.float32),
        in_specs=[
            pl.BlockSpec(memory_space=pltpu.VMEM),
            pl.BlockSpec(memory_space=pltpu.VMEM),
            pl.BlockSpec(memory_space=pltpu.VMEM),
            pl.BlockSpec(memory_space=pltpu.VMEM),
        ],
        out_specs=pl.BlockSpec(memory_space=pltpu.SMEM),
    )(logits, tcodes, m, pos)
    return out[0, 0]

# --- scband reference (transcript-rebuilt; emitter-appended) ---
"""Pipeline reference for scband-mmcl-68667937128728 (READ-ONLY COPY).

The authoritative reference and input builder live on the scoring server;
editing this copy changes nothing except your own understanding.
"""

import jax, jax.numpy as jnp
import numpy as np

DELTA = 5.0
R = 0.01
B, N = 64, 32768


def setup_inputs(seed: int = 0) -> dict:
    key = jax.random.key(seed)
    k1, k2 = jax.random.split(key)
    logits = jax.random.normal(k1, (B, N), dtype=jnp.float32)
    targets = jax.random.randint(k2, (B,), 0, N, dtype=jnp.int32)
    return {"logits": logits, "targets": targets}


def reference(logits, targets):
    # multi_targets is None path of MMCL.forward
    # multilabels: one-hot at targets -> exactly one positive per row
    Bn, Nn = logits.shape
    # neg_num = r * (~multilabel).sum() = r * (N - 1), identical for every row
    K = int(R * (Nn - 1))
    det = jax.lax.stop_gradient(logits)
    # torch.argsort(descending=True)
    argidx = jnp.argsort(-det, axis=1)
    # hn_idx = first K entries of argidx that are NOT the positive index.
    # Since only one index per row is positive, look at the first K+1 sorted
    # indices and drop the target if it appears (stable order preserved).
    top = argidx[:, : K + 1]
    is_tgt = (top == targets[:, None]).astype(jnp.int32)
    order = jnp.argsort(is_tgt, axis=1, stable=True)  # non-target entries first, in order
    hn = jnp.take_along_axis(top, order[:, :K], axis=1)
    # hard_neg_logit = logit[cat((pos_idx, hn_idx))]; results shape (1, 1+K)
    pos = jnp.take_along_axis(logits, targets[:, None].astype(jnp.int32), axis=1)
    neg = jnp.take_along_axis(logits, hn, axis=1)
    sel = jnp.concatenate([pos, neg], axis=1) * 10.0
    # cross_entropy(10*results, [0]) per row
    loss_row = jax.nn.logsumexp(sel, axis=1) - sel[:, 0]
    return jnp.mean(loss_row)

if __name__ == "__main__":
    import jax
    _d = setup_inputs()
    print(jax.jit(kernel)(*tuple(_d.values())))

</pallas_src>

<mosaic_0001>
#map = affine_map<(d0, d1) -> (0, 0)>
module attributes {stable_mosaic.version = 14 : i64} {
  func.func @_sc_select_body(%arg0: i32, %arg1: i32, %arg2: memref<64x32768xf32, #tpu.memory_space<hbm>>, %arg3: memref<64x16xi32, #tpu.memory_space<hbm>>, %arg4: memref<32768xi32, #tpu.memory_space<vmem>>, %arg5: memref<32768xi32, #tpu.memory_space<vmem>>, %arg6: memref<32016xi32, #tpu.memory_space<vmem>>, %arg7: memref<32016xi32, #tpu.memory_space<vmem>>, %arg8: memref<16xi32, #tpu.memory_space<vmem>>, %arg9: memref<!tpu.dma_semaphore, #tpu.memory_space<semaphore_mem>>) attributes {dimension_semantics = [#tpu.dimension_semantics<core_parallel>, #tpu.dimension_semantics<subcore_parallel>], iteration_bounds = array<i64: 2, 16>, scalar_prefetch = 0 : i64, scratch_operands = 6 : i64, tpu.core_type = #tpu.core_type<sc_vector_subcore>, window_params = [{transform_indices = #map}, {transform_indices = #map}]} {
    %mul3A = arith.constant 2 : i32
    %mul3A_0 = arith.muli %arg1, %mul3A : i32
    %add3A = arith.addi %mul3A_0, %arg0 : i32
    %mul3A_1 = arith.constant 2 : i32
    %mul3A_2 = arith.muli %add3A, %mul3A_1 : i32
    "tpu.region"() ({
      %run_scoped3A = tpu.sem_alloc : memref<!tpu.dma_semaphore, #tpu.memory_space<semaphore_mem>>
      %dma_start3A_53 = tpu.memref_bitcast %arg2 : memref<64x32768xf32, #tpu.memory_space<hbm>> -> memref<64x32768xi32, #tpu.memory_space<hbm>>
      %dma_start3A_54 = arith.constant 0 : i32
      %dma_start3A_55 = tpu.memref_slice %dma_start3A_53[%mul3A_2, %dma_start3A_54] : memref<64x32768xi32, #tpu.memory_space<hbm>> -> memref<1x32768xi32, #tpu.memory_space<hbm>>
      %dma_start3A_56 = tpu.memref_squeeze %dma_start3A_55 : memref<1x32768xi32, #tpu.memory_space<hbm>> -> memref<32768xi32, #tpu.memory_space<hbm>>
      %dma_start3A_57 = tpu.memref_bitcast %arg2 : memref<64x32768xf32, #tpu.memory_space<hbm>> -> memref<64x32768xi32, #tpu.memory_space<hbm>>
      %dma_start3A_58 = arith.constant 0 : i32
      %dma_start3A_59 = tpu.memref_slice %dma_start3A_57[%mul3A_2, %dma_start3A_58] : memref<64x32768xi32, #tpu.memory_space<hbm>> -> memref<1x32768xi32, #tpu.memory_space<hbm>>
      %dma_start3A_60 = tpu.memref_squeeze %dma_start3A_59 : memref<1x32768xi32, #tpu.memory_space<hbm>> -> memref<32768xi32, #tpu.memory_space<hbm>>
      tpu.enqueue_dma source(%dma_start3A_60 : memref<32768xi32, #tpu.memory_space<hbm>>) target(%arg4 : memref<32768xi32, #tpu.memory_space<vmem>>) target_semaphore(%run_scoped3A : memref<!tpu.dma_semaphore, #tpu.memory_space<semaphore_mem>>)
      %dma_wait3A_61 = tpu.memref_bitcast %arg2 : memref<64x32768xf32, #tpu.memory_space<hbm>> -> memref<64x32768xi32, #tpu.memory_space<hbm>>
      %dma_wait3A_62 = arith.constant 0 : i32
      %dma_wait3A_63 = tpu.memref_slice %dma_wait3A_61[%mul3A_2, %dma_wait3A_62] : memref<64x32768xi32, #tpu.memory_space<hbm>> -> memref<1x32768xi32, #tpu.memory_space<hbm>>
      %dma_wait3A_64 = tpu.memref_squeeze %dma_wait3A_63 : memref<1x32768xi32, #tpu.memory_space<hbm>> -> memref<32768xi32, #tpu.memory_space<hbm>>
      %dma_wait3A_65 = tpu.memref_bitcast %arg2 : memref<64x32768xf32, #tpu.memory_space<hbm>> -> memref<64x32768xi32, #tpu.memory_space<hbm>>
      %dma_wait3A_66 = arith.constant 0 : i32
      %dma_wait3A_67 = tpu.memref_slice %dma_wait3A_65[%mul3A_2, %dma_wait3A_66] : memref<64x32768xi32, #tpu.memory_space<hbm>> -> memref<1x32768xi32, #tpu.memory_space<hbm>>
      %dma_wait3A_68 = tpu.memref_squeeze %dma_wait3A_67 : memref<1x32768xi32, #tpu.memory_space<hbm>> -> memref<32768xi32, #tpu.memory_space<hbm>>
      tpu.wait_dma2 semaphore(%run_scoped3A : memref<!tpu.dma_semaphore, #tpu.memory_space<semaphore_mem>>) src(%dma_wait3A_68 : memref<32768xi32, #tpu.memory_space<hbm>>) dst(%arg4 : memref<32768xi32, #tpu.memory_space<vmem>>)
      tpu.yield
    }) : () -> ()
    %add3A_3 = arith.constant 1 : i32
    %add3A_4 = arith.addi %mul3A_2, %add3A_3 : i32
    %dma_start3A = tpu.memref_bitcast %arg2 : memref<64x32768xf32, #tpu.memory_space<hbm>> -> memref<64x32768xi32, #tpu.memory_space<hbm>>
    %dma_start3A_5 = arith.constant 0 : i32
    %dma_start3A_6 = tpu.memref_slice %dma_start3A[%add3A_4, %dma_start3A_5] : memref<64x32768xi32, #tpu.memory_space<hbm>> -> memref<1x32768xi32, #tpu.memory_space<hbm>>
    %dma_start3A_7 = tpu.memref_squeeze %dma_start3A_6 : memref<1x32768xi32, #tpu.memory_space<hbm>> -> memref<32768xi32, #tpu.memory_space<hbm>>
    %dma_start3A_8 = tpu.memref_bitcast %arg2 : memref<64x32768xf32, #tpu.memory_space<hbm>> -> memref<64x32768xi32, #tpu.memory_space<hbm>>
    %dma_start3A_9 = arith.constant 0 : i32
    %dma_start3A_10 = tpu.memref_slice %dma_start3A_8[%add3A_4, %dma_start3A_9] : memref<64x32768xi32, #tpu.memory_space<hbm>> -> memref<1x32768xi32, #tpu.memory_space<hbm>>
    %dma_start3A_11 = tpu.memref_squeeze %dma_start3A_10 : memref<1x32768xi32, #tpu.memory_space<hbm>> -> memref<32768xi32, #tpu.memory_space<hbm>>
    tpu.enqueue_dma source(%dma_start3A_11 : memref<32768xi32, #tpu.memory_space<hbm>>) target(%arg5 : memref<32768xi32, #tpu.memory_space<vmem>>) target_semaphore(%arg9 : memref<!tpu.dma_semaphore, #tpu.memory_space<semaphore_mem>>)
    %parallel_loop3A = arith.constant 0 : i32
    %parallel_loop3A_12 = arith.constant 2048 : i32
    %parallel_loop3A_13 = arith.constant 1 : i32
    %parallel_loop3A_14 = arith.constant 0 : i32
    %parallel_loop3A_15 = scf.for %parallel_loop3A_53 = %parallel_loop3A to %parallel_loop3A_12 step %parallel_loop3A_13 iter_args(%parallel_loop3A_54 = %parallel_loop3A_14) -> (i32)  : i32 {
      %parallel_loop3A_55 = arith.constant 16 : i32
      %parallel_loop3A_56 = arith.muli %parallel_loop3A_53, %parallel_loop3A_55 : i32
      %parallel_loop3A_57 = arith.index_cast %parallel_loop3A_56 : i32 to index
      %parallel_loop3A_58 = tpu.vector_load %arg4[%parallel_loop3A_57] {strides = array<i32>} : memref<32768xi32, #tpu.memory_space<vmem>>, vector<16xi32>,
      %parallel_loop3A_59 = arith.constant 31 : i32
      %parallel_loop3A_60 = vector.broadcast %parallel_loop3A_59 : i32 to vector<16xi32>
      %parallel_loop3A_61 = arith.shrsi %parallel_loop3A_58, %parallel_loop3A_60 : vector<16xi32>
      %parallel_loop3A_62 = arith.constant 2147483647 : i32
      %parallel_loop3A_63 = vector.broadcast %parallel_loop3A_62 : i32 to vector<16xi32>
      %parallel_loop3A_64 = arith.andi %parallel_loop3A_61, %parallel_loop3A_63 : vector<16xi32>
      %parallel_loop3A_65 = arith.xori %parallel_loop3A_58, %parallel_loop3A_64 : vector<16xi32>
      %parallel_loop3A_66 = arith.constant 1073741824 : i32
      %parallel_loop3A_67 = vector.broadcast %parallel_loop3A_66 : i32 to vector<16xi32>
      %parallel_loop3A_68 = arith.cmpi sge, %parallel_loop3A_65, %parallel_loop3A_67 : vector<16xi32>
      %parallel_loop3A_69 = arith.constant 32000 : i32
      %parallel_loop3A_70 = arith.cmpi slt, %parallel_loop3A_54, %parallel_loop3A_69 : i32
      %parallel_loop3A_71 = vector.broadcast %parallel_loop3A_70 : i1 to vector<16xi1>
      %parallel_loop3A_72 = arith.andi %parallel_loop3A_68, %parallel_loop3A_71 : vector<16xi1>
      %parallel_loop3A_73 = arith.index_cast %parallel_loop3A_54 : i32 to index
      %parallel_loop3A_74 = tpu.vector_load %arg6[%parallel_loop3A_73] masked %parallel_loop3A_72 {strides = array<i32>} : memref<32016xi32, #tpu.memory_space<vmem>>, vector<16xi32>, vector<16xi1>
      tpu.vector_store %arg6[%parallel_loop3A_73], %parallel_loop3A_65 masked %parallel_loop3A_72 {strides = array<i32>} : memref<32016xi32, #tpu.memory_space<vmem>>, vector<16xi32>, vector<16xi1>
      %parallel_loop3A_75 = tpu.all_reduce %parallel_loop3A_68 {dim = 0 : i64, kind = #tpu.reduction_kind<sum>} : vector<16xi1> -> vector<16xi32>
      %parallel_loop3A_76 = vector.extract_strided_slice %parallel_loop3A_75 {offsets = [0], sizes = [1], strides = [1]} : vector<16xi32> to vector<1xi32>
      %parallel_loop3A_77 = vector.extract %parallel_loop3A_76[0] : i32 from vector<1xi32>
      %parallel_loop3A_78 = arith.addi %parallel_loop3A_54, %parallel_loop3A_77 : i32
      scf.yield %parallel_loop3A_78 : i32
    } {sc.loop_unroll_factor = 8 : i64, sc.parallel_access}
    %dma_wait3A = tpu.memref_bitcast %arg2 : memref<64x32768xf32, #tpu.memory_space<hbm>> -> memref<64x32768xi32, #tpu.memory_space<hbm>>
    %dma_wait3A_16 = arith.constant 0 : i32
    %dma_wait3A_17 = tpu.memref_slice %dma_wait3A[%add3A_4, %dma_wait3A_16] : memref<64x32768xi32, #tpu.memory_space<hbm>> -> memref<1x32768xi32, #tpu.memory_space<hbm>>
    %dma_wait3A_18 = tpu.memref_squeeze %dma_wait3A_17 : memref<1x32768xi32, #tpu.memory_space<hbm>> -> memref<32768xi32, #tpu.memory_space<hbm>>
    %dma_wait3A_19 = tpu.memref_bitcast %arg2 : memref<64x32768xf32, #tpu.memory_space<hbm>> -> memref<64x32768xi32, #tpu.memory_space<hbm>>
    %dma_wait3A_20 = arith.constant 0 : i32
    %dma_wait3A_21 = tpu.memref_slice %dma_wait3A_19[%add3A_4, %dma_wait3A_20] : memref<64x32768xi32, #tpu.memory_space<hbm>> -> memref<1x32768xi32, #tpu.memory_space<hbm>>
    %dma_wait3A_22 = tpu.memref_squeeze %dma_wait3A_21 : memref<1x32768xi32, #tpu.memory_space<hbm>> -> memref<32768xi32, #tpu.memory_space<hbm>>
    tpu.wait_dma2 semaphore(%arg9 : memref<!tpu.dma_semaphore, #tpu.memory_space<semaphore_mem>>) src(%dma_wait3A_22 : memref<32768xi32, #tpu.memory_space<hbm>>) dst(%arg5 : memref<32768xi32, #tpu.memory_space<vmem>>)
    %parallel_loop3A_23 = arith.constant 0 : i32
    %parallel_loop3A_24 = arith.constant 2048 : i32
    %parallel_loop3A_25 = arith.constant 1 : i32
    %parallel_loop3A_26 = arith.constant 0 : i32
    %parallel_loop3A_27 = scf.for %parallel_loop3A_53 = %parallel_loop3A_23 to %parallel_loop3A_24 step %parallel_loop3A_25 iter_args(%parallel_loop3A_54 = %parallel_loop3A_26) -> (i32)  : i32 {
      %parallel_loop3A_55 = arith.constant 16 : i32
      %parallel_loop3A_56 = arith.muli %parallel_loop3A_53, %parallel_loop3A_55 : i32
      %parallel_loop3A_57 = arith.index_cast %parallel_loop3A_56 : i32 to index
      %parallel_loop3A_58 = tpu.vector_load %arg5[%parallel_loop3A_57] {strides = array<i32>} : memref<32768xi32, #tpu.memory_space<vmem>>, vector<16xi32>,
      %parallel_loop3A_59 = arith.constant 31 : i32
      %parallel_loop3A_60 = vector.broadcast %parallel_loop3A_59 : i32 to vector<16xi32>
      %parallel_loop3A_61 = arith.shrsi %parallel_loop3A_58, %parallel_loop3A_60 : vector<16xi32>
      %parallel_loop3A_62 = arith.constant 2147483647 : i32
      %parallel_loop3A_63 = vector.broadcast %parallel_loop3A_62 : i32 to vector<16xi32>
      %parallel_loop3A_64 = arith.andi %parallel_loop3A_61, %parallel_loop3A_63 : vector<16xi32>
      %parallel_loop3A_65 = arith.xori %parallel_loop3A_58, %parallel_loop3A_64 : vector<16xi32>
      %parallel_loop3A_66 = arith.constant 1073741824 : i32
      %parallel_loop3A_67 = vector.broadcast %parallel_loop3A_66 : i32 to vector<16xi32>
      %parallel_loop3A_68 = arith.cmpi sge, %parallel_loop3A_65, %parallel_loop3A_67 : vector<16xi32>
      %parallel_loop3A_69 = arith.constant 32000 : i32
      %parallel_loop3A_70 = arith.cmpi slt, %parallel_loop3A_54, %parallel_loop3A_69 : i32
      %parallel_loop3A_71 = vector.broadcast %parallel_loop3A_70 : i1 to vector<16xi1>
      %parallel_loop3A_72 = arith.andi %parallel_loop3A_68, %parallel_loop3A_71 : vector<16xi1>
      %parallel_loop3A_73 = arith.index_cast %parallel_loop3A_54 : i32 to index
      %parallel_loop3A_74 = tpu.vector_load %arg7[%parallel_loop3A_73] masked %parallel_loop3A_72 {strides = array<i32>} : memref<32016xi32, #tpu.memory_space<vmem>>, vector<16xi32>, vector<16xi1>
      tpu.vector_store %arg7[%parallel_loop3A_73], %parallel_loop3A_65 masked %parallel_loop3A_72 {strides = array<i32>} : memref<32016xi32, #tpu.memory_space<vmem>>, vector<16xi32>, vector<16xi1>
      %parallel_loop3A_75 = tpu.all_reduce %parallel_loop3A_68 {dim = 0 : i64, kind = #tpu.reduction_kind<sum>} : vector<16xi1> -> vector<16xi32>
      %parallel_loop3A_76 = vector.extract_strided_slice %parallel_loop3A_75 {offsets = [0], sizes = [1], strides = [1]} : vector<16xi32> to vector<1xi32>
      %parallel_loop3A_77 = vector.extract %parallel_loop3A_76[0] : i32 from vector<1xi32>
      %parallel_loop3A_78 = arith.addi %parallel_loop3A_54, %parallel_loop3A_77 : i32
      scf.yield %parallel_loop3A_78 : i32
    } {sc.loop_unroll_factor = 8 : i64, sc.parallel_access}
    %broadcast_in_dim3A = arith.constant -2147483648 : i32
    %broadcast_in_dim3A_28 = vector.broadcast %broadcast_in_dim3A : i32 to vector<16xi32>
    %ge3A = arith.constant 328 : i32
    %ge3A_29 = arith.cmpi sge, %parallel_loop3A_15, %ge3A : i32
    %le3A = arith.constant 32000 : i32
    %le3A_30 = arith.cmpi sle, %parallel_loop3A_15, %le3A : i32
    %and3A = arith.andi %ge3A_29, %le3A_30 : i1
    %convert_element_type3A = arith.extui %and3A : i1 to i32
    %cond3A = arith.constant 0 : i32
    %cond3A_31 = arith.constant 0 : i32
    %cond3A_32 = arith.cmpi ne, %convert_element_type3A, %cond3A_31 : i32
    %cond3A_33 = scf.if %cond3A_32 -> (i32) {
      %swap3A_53 = arith.index_cast %parallel_loop3A_15 : i32 to index
      %swap3A_54 = tpu.vector_load %arg6[%swap3A_53] {strides = array<i32>} : memref<32016xi32, #tpu.memory_space<vmem>>, vector<16xi32>,
      tpu.vector_store %arg6[%swap3A_53], %broadcast_in_dim3A_28 {strides = array<i32>} : memref<32016xi32, #tpu.memory_space<vmem>>, vector<16xi32>,
      %add3A_55 = arith.constant 15 : i32
      %add3A_56 = arith.addi %parallel_loop3A_15, %add3A_55 : i32
      %jit3A = arith.constant 16 : i32
      %div3A = arith.divsi %add3A_56, %jit3A : i32
      %sign3A = arith.constant 0 : i32
      %sign3A_57 = arith.cmpi sgt, %add3A_56, %sign3A : i32
      %sign3A_58 = arith.extui %sign3A_57 : i1 to i32
      %sign3A_59 = arith.constant 0 : i32
      %sign3A_60 = arith.cmpi slt, %add3A_56, %sign3A_59 : i32
      %sign3A_61 = arith.extui %sign3A_60 : i1 to i32
      %sign3A_62 = arith.subi %sign3A_58, %sign3A_61 : i32
      %sign3A_63 = arith.constant 0 : i32
      %sign3A_64 = arith.cmpi sgt, %jit3A, %sign3A_63 : i32
      %sign3A_65 = arith.extui %sign3A_64 : i1 to i32
      %sign3A_66 = arith.constant 0 : i32
      %sign3A_67 = arith.cmpi slt, %jit3A, %sign3A_66 : i32
      %sign3A_68 = arith.extui %sign3A_67 : i1 to i32
      %sign3A_69 = arith.subi %sign3A_65, %sign3A_68 : i32
      %ne3A = arith.cmpi ne, %sign3A_62, %sign3A_69 : i32
      %rem3A = arith.remsi %add3A_56, %jit3A : i32
      %ne3A_70 = arith.constant 0 : i32
      %ne3A_71 = arith.cmpi ne, %rem3A, %ne3A_70 : i32
      %and3A_72 = arith.andi %ne3A, %ne3A_71 : i1
      %sub3A = arith.constant 1 : i32
      %sub3A_73 = arith.subi %div3A, %sub3A : i32
      %select_n3A = arith.select %and3A_72, %sub3A_73, %div3A : i32
      %scan3A = arith.constant 1073741824 : i32
      %scan3A_74 = arith.constant 0 : i32
      %scan3A_75 = arith.constant 30 : i32
      %scan3A_76 = arith.addi %scan3A_74, %scan3A_75 : i32
      %scan3A_77 = arith.constant 1 : i32
      %scan3A_78 = scf.for %scan3A_80 = %scan3A_74 to %scan3A_76 step %scan3A_77 iter_args(%scan3A_81 = %scan3A) -> (i32)  : i32 {
        %sub3A_82 = arith.constant 29 : i32
        %sub3A_83 = arith.subi %sub3A_82, %scan3A_80 : i32
        %shift_left3A = arith.constant 1 : i32
        %shift_left3A_84 = arith.shli %shift_left3A, %sub3A_83 : i32
        %add3A_85 = arith.addi %scan3A_81, %shift_left3A_84 : i32
        %broadcast_in_dim3A_86 = arith.constant 0 : i32
        %broadcast_in_dim3A_87 = vector.broadcast %broadcast_in_dim3A_86 : i32 to vector<16xi32>
        %parallel_loop3A_88 = arith.constant 0 : i32
        %parallel_loop3A_89 = arith.constant 1 : i32
        %parallel_loop3A_90 = scf.for %parallel_loop3A_97 = %parallel_loop3A_88 to %select_n3A step %parallel_loop3A_89 iter_args(%parallel_loop3A_98 = %broadcast_in_dim3A_87) -> (vector<16xi32>)  : i32 {
          %parallel_loop3A_99 = arith.constant 16 : i32
          %parallel_loop3A_100 = arith.muli %parallel_loop3A_97, %parallel_loop3A_99 : i32
          %parallel_loop3A_101 = arith.index_cast %parallel_loop3A_100 : i32 to index
          %parallel_loop3A_102 = tpu.vector_load %arg6[%parallel_loop3A_101] {strides = array<i32>} : memref<32016xi32, #tpu.memory_space<vmem>>, vector<16xi32>,
          %parallel_loop3A_103 = vector.broadcast %add3A_85 : i32 to vector<16xi32>
          %parallel_loop3A_104 = arith.cmpi sge, %parallel_loop3A_102, %parallel_loop3A_103 : vector<16xi32>
          %parallel_loop3A_105 = arith.constant 1 : i32
          %parallel_loop3A_106 = arith.constant 0 : i32
          %parallel_loop3A_107 = vector.broadcast %parallel_loop3A_105 : i32 to vector<16xi32>
          %parallel_loop3A_108 = vector.broadcast %parallel_loop3A_106 : i32 to vector<16xi32>
          %parallel_loop3A_109 = arith.select %parallel_loop3A_104, %parallel_loop3A_107, %parallel_loop3A_108 : vector<16xi1>, vector<16xi32>
          %parallel_loop3A_110 = arith.addi %parallel_loop3A_98, %parallel_loop3A_109 : vector<16xi32>
          scf.yield %parallel_loop3A_110 : vector<16xi32>
        } {sc.loop_unroll_factor = 4 : i64, sc.parallel_access}
        %reduce_sum3A = arith.constant true
        %reduce_sum3A_91 = vector.broadcast %reduce_sum3A : i1 to vector<16xi1>
        %reduce_sum3A_92 = tpu.scan <sum>, %parallel_loop3A_90 masked %reduce_sum3A_91 : vector<16xi32>, vector<16xi1> -> vector<16xi32>
        %reduce_sum3A_93 = vector.extract %reduce_sum3A_92[15] : i32 from vector<16xi32>
        %ge3A_94 = arith.constant 328 : i32
        %ge3A_95 = arith.cmpi sge, %reduce_sum3A_93, %ge3A_94 : i32
        %select_n3A_96 = arith.select %ge3A_95, %add3A_85, %scan3A_81 : i32
        scf.yield %select_n3A_96 : i32
      }
      %scan3A_79 = arith.constant 30 : i32
      scf.yield %scan3A_78 : i32
    } else {
      %scan3A = arith.constant -2147483648 : i32
      %scan3A_53 = arith.constant 0 : i32
      %scan3A_54 = arith.constant 31 : i32
      %scan3A_55 = arith.addi %scan3A_53, %scan3A_54 : i32
      %scan3A_56 = arith.constant 1 : i32
      %scan3A_57 = scf.for %scan3A_59 = %scan3A_53 to %scan3A_55 step %scan3A_56 iter_args(%scan3A_60 = %scan3A) -> (i32)  : i32 {
        %sub3A = arith.constant 30 : i32
        %sub3A_61 = arith.subi %sub3A, %scan3A_59 : i32
        %shift_left3A = arith.constant 1 : i32
        %shift_left3A_62 = arith.shli %shift_left3A, %sub3A_61 : i32
        %add3A_63 = arith.addi %scan3A_60, %shift_left3A_62 : i32
        %broadcast_in_dim3A_64 = arith.constant 0 : i32
        %broadcast_in_dim3A_65 = vector.broadcast %broadcast_in_dim3A_64 : i32 to vector<16xi32>
        %parallel_loop3A_66 = arith.constant 0 : i32
        %parallel_loop3A_67 = arith.constant 2048 : i32
        %parallel_loop3A_68 = arith.constant 1 : i32
        %parallel_loop3A_69 = scf.for %parallel_loop3A_75 = %parallel_loop3A_66 to %parallel_loop3A_67 step %parallel_loop3A_68 iter_args(%parallel_loop3A_76 = %broadcast_in_dim3A_65) -> (vector<16xi32>)  : i32 {
          %parallel_loop3A_77 = arith.constant 16 : i32
          %parallel_loop3A_78 = arith.muli %parallel_loop3A_75, %parallel_loop3A_77 : i32
          %parallel_loop3A_79 = arith.index_cast %parallel_loop3A_78 : i32 to index
          %parallel_loop3A_80 = tpu.vector_load %arg4[%parallel_loop3A_79] {strides = array<i32>} : memref<32768xi32, #tpu.memory_space<vmem>>, vector<16xi32>,
          %parallel_loop3A_81 = arith.constant 31 : i32
          %parallel_loop3A_82 = vector.broadcast %parallel_loop3A_81 : i32 to vector<16xi32>
          %parallel_loop3A_83 = arith.shrsi %parallel_loop3A_80, %parallel_loop3A_82 : vector<16xi32>
          %parallel_loop3A_84 = arith.constant 2147483647 : i32
          %parallel_loop3A_85 = vector.broadcast %parallel_loop3A_84 : i32 to vector<16xi32>
          %parallel_loop3A_86 = arith.andi %parallel_loop3A_83, %parallel_loop3A_85 : vector<16xi32>
          %parallel_loop3A_87 = arith.xori %parallel_loop3A_80, %parallel_loop3A_86 : vector<16xi32>
          %parallel_loop3A_88 = vector.broadcast %add3A_63 : i32 to vector<16xi32>
          %parallel_loop3A_89 = arith.cmpi sge, %parallel_loop3A_87, %parallel_loop3A_88 : vector<16xi32>
          %parallel_loop3A_90 = arith.constant 1 : i32
          %parallel_loop3A_91 = arith.constant 0 : i32
          %parallel_loop3A_92 = vector.broadcast %parallel_loop3A_90 : i32 to vector<16xi32>
          %parallel_loop3A_93 = vector.broadcast %parallel_loop3A_91 : i32 to vector<16xi32>
          %parallel_loop3A_94 = arith.select %parallel_loop3A_89, %parallel_loop3A_92, %parallel_loop3A_93 : vector<16xi1>, vector<16xi32>
          %parallel_loop3A_95 = arith.addi %parallel_loop3A_76, %parallel_loop3A_94 : vector<16xi32>
          scf.yield %parallel_loop3A_95 : vector<16xi32>
        } {sc.loop_unroll_factor = 4 : i64, sc.parallel_access}
        %reduce_sum3A = arith.constant true
        %reduce_sum3A_70 = vector.broadcast %reduce_sum3A : i1 to vector<16xi1>
        %reduce_sum3A_71 = tpu.scan <sum>, %parallel_loop3A_69 masked %reduce_sum3A_70 : vector<16xi32>, vector<16xi1> -> vector<16xi32>
        %reduce_sum3A_72 = vector.extract %reduce_sum3A_71[15] : i32 from vector<16xi32>
        %ge3A_73 = arith.constant 328 : i32
        %ge3A_74 = arith.cmpi sge, %reduce_sum3A_72, %ge3A_73 : i32
        %select_n3A = arith.select %ge3A_74, %add3A_63, %scan3A_60 : i32
        scf.yield %select_n3A : i32
      }
      %scan3A_58 = arith.constant 31 : i32
      scf.yield %scan3A_57 : i32
    }
    %broadcast_in_dim3A_34 = vector.broadcast %cond3A_33 : i32 to vector<16xi32>
    %swap3A = arith.constant 0 : index
    %swap3A_35 = tpu.vector_load %arg8[%swap3A] {strides = array<i32>} : memref<16xi32, #tpu.memory_space<vmem>>, vector<16xi32>,
    tpu.vector_store %arg8[%swap3A], %broadcast_in_dim3A_34 {strides = array<i32>} : memref<16xi32, #tpu.memory_space<vmem>>, vector<16xi32>,
    %add3A_36 = arith.constant 0 : i32
    %add3A_37 = arith.addi %mul3A_2, %add3A_36 : i32
    "tpu.region"() ({
      %run_scoped3A = tpu.sem_alloc : memref<!tpu.dma_semaphore, #tpu.memory_space<semaphore_mem>>
      %dma_start3A_53 = arith.constant 0 : i32
      %dma_start3A_54 = tpu.memref_slice %arg3[%add3A_37, %dma_start3A_53] : memref<64x16xi32, #tpu.memory_space<hbm>> -> memref<1x16xi32, #tpu.memory_space<hbm>>
      %dma_start3A_55 = tpu.memref_squeeze %dma_start3A_54 : memref<1x16xi32, #tpu.memory_space<hbm>> -> memref<16xi32, #tpu.memory_space<hbm>>
      %dma_start3A_56 = arith.constant 0 : i32
      %dma_start3A_57 = tpu.memref_slice %arg3[%add3A_37, %dma_start3A_56] : memref<64x16xi32, #tpu.memory_space<hbm>> -> memref<1x16xi32, #tpu.memory_space<hbm>>
      %dma_start3A_58 = tpu.memref_squeeze %dma_start3A_57 : memref<1x16xi32, #tpu.memory_space<hbm>> -> memref<16xi32, #tpu.memory_space<hbm>>
      tpu.enqueue_dma source(%arg8 : memref<16xi32, #tpu.memory_space<vmem>>) target(%dma_start3A_58 : memref<16xi32, #tpu.memory_space<hbm>>) target_semaphore(%run_scoped3A : memref<!tpu.dma_semaphore, #tpu.memory_space<semaphore_mem>>)
      %dma_wait3A_59 = arith.constant 0 : i32
      %dma_wait3A_60 = tpu.memref_slice %arg3[%add3A_37, %dma_wait3A_59] : memref<64x16xi32, #tpu.memory_space<hbm>> -> memref<1x16xi32, #tpu.memory_space<hbm>>
      %dma_wait3A_61 = tpu.memref_squeeze %dma_wait3A_60 : memref<1x16xi32, #tpu.memory_space<hbm>> -> memref<16xi32, #tpu.memory_space<hbm>>
      %dma_wait3A_62 = arith.constant 0 : i32
      %dma_wait3A_63 = tpu.memref_slice %arg3[%add3A_37, %dma_wait3A_62] : memref<64x16xi32, #tpu.memory_space<hbm>> -> memref<1x16xi32, #tpu.memory_space<hbm>>
      %dma_wait3A_64 = tpu.memref_squeeze %dma_wait3A_63 : memref<1x16xi32, #tpu.memory_space<hbm>> -> memref<16xi32, #tpu.memory_space<hbm>>
      tpu.wait_dma2 semaphore(%run_scoped3A : memref<!tpu.dma_semaphore, #tpu.memory_space<semaphore_mem>>) src(%arg8 : memref<16xi32, #tpu.memory_space<vmem>>) dst(%dma_wait3A_64 : memref<16xi32, #tpu.memory_space<hbm>>)
      tpu.yield
    }) : () -> ()
    %ge3A_38 = arith.constant 328 : i32
    %ge3A_39 = arith.cmpi sge, %parallel_loop3A_27, %ge3A_38 : i32
    %le3A_40 = arith.constant 32000 : i32
    %le3A_41 = arith.cmpi sle, %parallel_loop3A_27, %le3A_40 : i32
    %and3A_42 = arith.andi %ge3A_39, %le3A_41 : i1
    %convert_element_type3A_43 = arith.extui %and3A_42 : i1 to i32
    %cond3A_44 = arith.constant 0 : i32
    %cond3A_45 = arith.constant 0 : i32
    %cond3A_46 = arith.cmpi ne, %convert_element_type3A_43, %cond3A_45 : i32
    %cond3A_47 = scf.if %cond3A_46 -> (i32) {
      %swap3A_53 = arith.index_cast %parallel_loop3A_27 : i32 to index
      %swap3A_54 = tpu.vector_load %arg7[%swap3A_53] {strides = array<i32>} : memref<32016xi32, #tpu.memory_space<vmem>>, vector<16xi32>,
      tpu.vector_store %arg7[%swap3A_53], %broadcast_in_dim3A_28 {strides = array<i32>} : memref<32016xi32, #tpu.memory_space<vmem>>, vector<16xi32>,
      %add3A_55 = arith.constant 15 : i32
      %add3A_56 = arith.addi %parallel_loop3A_27, %add3A_55 : i32
      %jit3A = arith.constant 16 : i32
      %div3A = arith.divsi %add3A_56, %jit3A : i32
      %sign3A = arith.constant 0 : i32
      %sign3A_57 = arith.cmpi sgt, %add3A_56, %sign3A : i32
      %sign3A_58 = arith.extui %sign3A_57 : i1 to i32
      %sign3A_59 = arith.constant 0 : i32
      %sign3A_60 = arith.cmpi slt, %add3A_56, %sign3A_59 : i32
      %sign3A_61 = arith.extui %sign3A_60 : i1 to i32
      %sign3A_62 = arith.subi %sign3A_58, %sign3A_61 : i32
      %sign3A_63 = arith.constant 0 : i32
      %sign3A_64 = arith.cmpi sgt, %jit3A, %sign3A_63 : i32
      %sign3A_65 = arith.extui %sign3A_64 : i1 to i32
      %sign3A_66 = arith.constant 0 : i32
      %sign3A_67 = arith.cmpi slt, %jit3A, %sign3A_66 : i32
      %sign3A_68 = arith.extui %sign3A_67 : i1 to i32
      %sign3A_69 = arith.subi %sign3A_65, %sign3A_68 : i32
      %ne3A = arith.cmpi ne, %sign3A_62, %sign3A_69 : i32
      %rem3A = arith.remsi %add3A_56, %jit3A : i32
      %ne3A_70 = arith.constant 0 : i32
      %ne3A_71 = arith.cmpi ne, %rem3A, %ne3A_70 : i32
      %and3A_72 = arith.andi %ne3A, %ne3A_71 : i1
      %sub3A = arith.constant 1 : i32
      %sub3A_73 = arith.subi %div3A, %sub3A : i32
      %select_n3A = arith.select %and3A_72, %sub3A_73, %div3A : i32
      %scan3A = arith.constant 1073741824 : i32
      %scan3A_74 = arith.constant 0 : i32
      %scan3A_75 = arith.constant 30 : i32
      %scan3A_76 = arith.addi %scan3A_74, %scan3A_75 : i32
      %scan3A_77 = arith.constant 1 : i32
      %scan3A_78 = scf.for %scan3A_80 = %scan3A_74 to %scan3A_76 step %scan3A_77 iter_args(%scan3A_81 = %scan3A) -> (i32)  : i32 {
        %sub3A_82 = arith.constant 29 : i32
        %sub3A_83 = arith.subi %sub3A_82, %scan3A_80 : i32
        %shift_left3A = arith.constant 1 : i32
        %shift_left3A_84 = arith.shli %shift_left3A, %sub3A_83 : i32
        %add3A_85 = arith.addi %scan3A_81, %shift_left3A_84 : i32
        %broadcast_in_dim3A_86 = arith.constant 0 : i32
        %broadcast_in_dim3A_87 = vector.broadcast %broadcast_in_dim3A_86 : i32 to vector<16xi32>
        %parallel_loop3A_88 = arith.constant 0 : i32
        %parallel_loop3A_89 = arith.constant 1 : i32
        %parallel_loop3A_90 = scf.for %parallel_loop3A_97 = %parallel_loop3A_88 to %select_n3A step %parallel_loop3A_89 iter_args(%parallel_loop3A_98 = %broadcast_in_dim3A_87) -> (vector<16xi32>)  : i32 {
          %parallel_loop3A_99 = arith.constant 16 : i32
          %parallel_loop3A_100 = arith.muli %parallel_loop3A_97, %parallel_loop3A_99 : i32
          %parallel_loop3A_101 = arith.index_cast %parallel_loop3A_100 : i32 to index
          %parallel_loop3A_102 = tpu.vector_load %arg7[%parallel_loop3A_101] {strides = array<i32>} : memref<32016xi32, #tpu.memory_space<vmem>>, vector<16xi32>,
          %parallel_loop3A_103 = vector.broadcast %add3A_85 : i32 to vector<16xi32>
          %parallel_loop3A_104 = arith.cmpi sge, %parallel_loop3A_102, %parallel_loop3A_103 : vector<16xi32>
          %parallel_loop3A_105 = arith.constant 1 : i32
          %parallel_loop3A_106 = arith.constant 0 : i32
          %parallel_loop3A_107 = vector.broadcast %parallel_loop3A_105 : i32 to vector<16xi32>
          %parallel_loop3A_108 = vector.broadcast %parallel_loop3A_106 : i32 to vector<16xi32>
          %parallel_loop3A_109 = arith.select %parallel_loop3A_104, %parallel_loop3A_107, %parallel_loop3A_108 : vector<16xi1>, vector<16xi32>
          %parallel_loop3A_110 = arith.addi %parallel_loop3A_98, %parallel_loop3A_109 : vector<16xi32>
          scf.yield %parallel_loop3A_110 : vector<16xi32>
        } {sc.loop_unroll_factor = 4 : i64, sc.parallel_access}
        %reduce_sum3A = arith.constant true
        %reduce_sum3A_91 = vector.broadcast %reduce_sum3A : i1 to vector<16xi1>
        %reduce_sum3A_92 = tpu.scan <sum>, %parallel_loop3A_90 masked %reduce_sum3A_91 : vector<16xi32>, vector<16xi1> -> vector<16xi32>
        %reduce_sum3A_93 = vector.extract %reduce_sum3A_92[15] : i32 from vector<16xi32>
        %ge3A_94 = arith.constant 328 : i32
        %ge3A_95 = arith.cmpi sge, %reduce_sum3A_93, %ge3A_94 : i32
        %select_n3A_96 = arith.select %ge3A_95, %add3A_85, %scan3A_81 : i32
        scf.yield %select_n3A_96 : i32
      }
      %scan3A_79 = arith.constant 30 : i32
      scf.yield %scan3A_78 : i32
    } else {
      %scan3A = arith.constant -2147483648 : i32
      %scan3A_53 = arith.constant 0 : i32
      %scan3A_54 = arith.constant 31 : i32
      %scan3A_55 = arith.addi %scan3A_53, %scan3A_54 : i32
      %scan3A_56 = arith.constant 1 : i32
      %scan3A_57 = scf.for %scan3A_59 = %scan3A_53 to %scan3A_55 step %scan3A_56 iter_args(%scan3A_60 = %scan3A) -> (i32)  : i32 {
        %sub3A = arith.constant 30 : i32
        %sub3A_61 = arith.subi %sub3A, %scan3A_59 : i32
        %shift_left3A = arith.constant 1 : i32
        %shift_left3A_62 = arith.shli %shift_left3A, %sub3A_61 : i32
        %add3A_63 = arith.addi %scan3A_60, %shift_left3A_62 : i32
        %broadcast_in_dim3A_64 = arith.constant 0 : i32
        %broadcast_in_dim3A_65 = vector.broadcast %broadcast_in_dim3A_64 : i32 to vector<16xi32>
        %parallel_loop3A_66 = arith.constant 0 : i32
        %parallel_loop3A_67 = arith.constant 2048 : i32
        %parallel_loop3A_68 = arith.constant 1 : i32
        %parallel_loop3A_69 = scf.for %parallel_loop3A_75 = %parallel_loop3A_66 to %parallel_loop3A_67 step %parallel_loop3A_68 iter_args(%parallel_loop3A_76 = %broadcast_in_dim3A_65) -> (vector<16xi32>)  : i32 {
          %parallel_loop3A_77 = arith.constant 16 : i32
          %parallel_loop3A_78 = arith.muli %parallel_loop3A_75, %parallel_loop3A_77 : i32
          %parallel_loop3A_79 = arith.index_cast %parallel_loop3A_78 : i32 to index
          %parallel_loop3A_80 = tpu.vector_load %arg5[%parallel_loop3A_79] {strides = array<i32>} : memref<32768xi32, #tpu.memory_space<vmem>>, vector<16xi32>,
          %parallel_loop3A_81 = arith.constant 31 : i32
          %parallel_loop3A_82 = vector.broadcast %parallel_loop3A_81 : i32 to vector<16xi32>
          %parallel_loop3A_83 = arith.shrsi %parallel_loop3A_80, %parallel_loop3A_82 : vector<16xi32>
          %parallel_loop3A_84 = arith.constant 2147483647 : i32
          %parallel_loop3A_85 = vector.broadcast %parallel_loop3A_84 : i32 to vector<16xi32>
          %parallel_loop3A_86 = arith.andi %parallel_loop3A_83, %parallel_loop3A_85 : vector<16xi32>
          %parallel_loop3A_87 = arith.xori %parallel_loop3A_80, %parallel_loop3A_86 : vector<16xi32>
          %parallel_loop3A_88 = vector.broadcast %add3A_63 : i32 to vector<16xi32>
          %parallel_loop3A_89 = arith.cmpi sge, %parallel_loop3A_87, %parallel_loop3A_88 : vector<16xi32>
          %parallel_loop3A_90 = arith.constant 1 : i32
          %parallel_loop3A_91 = arith.constant 0 : i32
          %parallel_loop3A_92 = vector.broadcast %parallel_loop3A_90 : i32 to vector<16xi32>
          %parallel_loop3A_93 = vector.broadcast %parallel_loop3A_91 : i32 to vector<16xi32>
          %parallel_loop3A_94 = arith.select %parallel_loop3A_89, %parallel_loop3A_92, %parallel_loop3A_93 : vector<16xi1>, vector<16xi32>
          %parallel_loop3A_95 = arith.addi %parallel_loop3A_76, %parallel_loop3A_94 : vector<16xi32>
          scf.yield %parallel_loop3A_95 : vector<16xi32>
        } {sc.loop_unroll_factor = 4 : i64, sc.parallel_access}
        %reduce_sum3A = arith.constant true
        %reduce_sum3A_70 = vector.broadcast %reduce_sum3A : i1 to vector<16xi1>
        %reduce_sum3A_71 = tpu.scan <sum>, %parallel_loop3A_69 masked %reduce_sum3A_70 : vector<16xi32>, vector<16xi1> -> vector<16xi32>
        %reduce_sum3A_72 = vector.extract %reduce_sum3A_71[15] : i32 from vector<16xi32>
        %ge3A_73 = arith.constant 328 : i32
        %ge3A_74 = arith.cmpi sge, %reduce_sum3A_72, %ge3A_73 : i32
        %select_n3A = arith.select %ge3A_74, %add3A_63, %scan3A_60 : i32
        scf.yield %select_n3A : i32
      }
      %scan3A_58 = arith.constant 31 : i32
      scf.yield %scan3A_57 : i32
    }
    %broadcast_in_dim3A_48 = vector.broadcast %cond3A_47 : i32 to vector<16xi32>
    %swap3A_49 = arith.constant 0 : index
    %swap3A_50 = tpu.vector_load %arg8[%swap3A_49] {strides = array<i32>} : memref<16xi32, #tpu.memory_space<vmem>>, vector<16xi32>,
    tpu.vector_store %arg8[%swap3A_49], %broadcast_in_dim3A_48 {strides = array<i32>} : memref<16xi32, #tpu.memory_space<vmem>>, vector<16xi32>,
    %add3A_51 = arith.constant 1 : i32
    %add3A_52 = arith.addi %mul3A_2, %add3A_51 : i32
    "tpu.region"() ({
      %run_scoped3A = tpu.sem_alloc : memref<!tpu.dma_semaphore, #tpu.memory_space<semaphore_mem>>
      %dma_start3A_53 = arith.constant 0 : i32
      %dma_start3A_54 = tpu.memref_slice %arg3[%add3A_52, %dma_start3A_53] : memref<64x16xi32, #tpu.memory_space<hbm>> -> memref<1x16xi32, #tpu.memory_space<hbm>>
      %dma_start3A_55 = tpu.memref_squeeze %dma_start3A_54 : memref<1x16xi32, #tpu.memory_space<hbm>> -> memref<16xi32, #tpu.memory_space<hbm>>
      %dma_start3A_56 = arith.constant 0 : i32
      %dma_start3A_57 = tpu.memref_slice %arg3[%add3A_52, %dma_start3A_56] : memref<64x16xi32, #tpu.memory_space<hbm>> -> memref<1x16xi32, #tpu.memory_space<hbm>>
      %dma_start3A_58 = tpu.memref_squeeze %dma_start3A_57 : memref<1x16xi32, #tpu.memory_space<hbm>> -> memref<16xi32, #tpu.memory_space<hbm>>
      tpu.enqueue_dma source(%arg8 : memref<16xi32, #tpu.memory_space<vmem>>) target(%dma_start3A_58 : memref<16xi32, #tpu.memory_space<hbm>>) target_semaphore(%run_scoped3A : memref<!tpu.dma_semaphore, #tpu.memory_space<semaphore_mem>>)
      %dma_wait3A_59 = arith.constant 0 : i32
      %dma_wait3A_60 = tpu.memref_slice %arg3[%add3A_52, %dma_wait3A_59] : memref<64x16xi32, #tpu.memory_space<hbm>> -> memref<1x16xi32, #tpu.memory_space<hbm>>
      %dma_wait3A_61 = tpu.memref_squeeze %dma_wait3A_60 : memref<1x16xi32, #tpu.memory_space<hbm>> -> memref<16xi32, #tpu.memory_space<hbm>>
      %dma_wait3A_62 = arith.constant 0 : i32
      %dma_wait3A_63 = tpu.memref_slice %arg3[%add3A_52, %dma_wait3A_62] : memref<64x16xi32, #tpu.memory_space<hbm>> -> memref<1x16xi32, #tpu.memory_space<hbm>>
      %dma_wait3A_64 = tpu.memref_squeeze %dma_wait3A_63 : memref<1x16xi32, #tpu.memory_space<hbm>> -> memref<16xi32, #tpu.memory_space<hbm>>
      tpu.wait_dma2 semaphore(%run_scoped3A : memref<!tpu.dma_semaphore, #tpu.memory_space<semaphore_mem>>) src(%arg8 : memref<16xi32, #tpu.memory_space<vmem>>) dst(%dma_wait3A_64 : memref<16xi32, #tpu.memory_space<hbm>>)
      tpu.yield
    }) : () -> ()
    return
  }
}

module attributes {stable_mosaic.version = 14 : i64} {
  func.func @_tc_finish_body(%arg0: memref<64x32768xf32, #tpu.memory_space<vmem>>, %arg1: memref<64x16xi32, #tpu.memory_space<vmem>>, %arg2: memref<64x1xf32, #tpu.memory_space<vmem>>, %arg3: memref<64x1xf32, #tpu.memory_space<vmem>>, %arg4: memref<1x1xf32, #tpu.memory_space<smem>>) attributes {dimension_semantics = [], scalar_prefetch = 0 : i64, scratch_operands = 0 : i64, tpu.core_type = #tpu.core_type<tc>} {
    %get3A = arith.constant 0 : index
    %get3A_0 = arith.constant 0 : index
    %get3A_1 = vector.load %arg0[%get3A, %get3A_0] : memref<64x32768xf32, #tpu.memory_space<vmem>>, vector<64x32768xf32>
    %bitcast_convert_type3A = tpu.bitcast %get3A_1 : vector<64x32768xf32> -> vector<64x32768xi32>
    %shift_right_arithmetic3A = arith.constant 31 : i32
    %shift_right_arithmetic3A_2 = vector.broadcast %shift_right_arithmetic3A : i32 to vector<64x32768xi32>
    %shift_right_arithmetic3A_3 = arith.shrsi %bitcast_convert_type3A, %shift_right_arithmetic3A_2 : vector<64x32768xi32>
    %and3A = arith.constant 2147483647 : i32
    %and3A_4 = vector.broadcast %and3A : i32 to vector<64x32768xi32>
    %and3A_5 = arith.andi %shift_right_arithmetic3A_3, %and3A_4 : vector<64x32768xi32>
    %xor3A = arith.xori %bitcast_convert_type3A, %and3A_5 : vector<64x32768xi32>
    %get3A_6 = arith.constant 0 : index
    %get3A_7 = arith.constant 0 : index
    %get3A_8 = vector.load %arg1[%get3A_6, %get3A_7] : memref<64x16xi32, #tpu.memory_space<vmem>>, vector<64x1xi32>
    %get3A_9 = arith.constant 0 : index
    %get3A_10 = arith.constant 0 : index
    %get3A_11 = vector.load %arg2[%get3A_9, %get3A_10] : memref<64x1xf32, #tpu.memory_space<vmem>>, vector<64x1xf32>
    %get3A_12 = arith.constant 0 : index
    %get3A_13 = arith.constant 0 : index
    %get3A_14 = vector.load %arg3[%get3A_12, %get3A_13] : memref<64x1xf32, #tpu.memory_space<vmem>>, vector<64x1xf32>
    %gt3A = vector.broadcast %get3A_8 : vector<64x1xi32> to vector<64x32768xi32>
    %gt3A_15 = arith.cmpi sgt, %xor3A, %gt3A : vector<64x32768xi32>
    %convert_element_type3A = arith.extui %gt3A_15 : vector<64x32768xi1> to vector<64x32768xi32>
    %reduce_sum3A = arith.constant dense<0> : vector<64xi32>
    %reduce_sum3A_16 = vector.multi_reduction <add>, %convert_element_type3A, %reduce_sum3A [1] : vector<64x32768xi32> to vector<64xi32>
    %broadcast_in_dim3A = vector.shape_cast %reduce_sum3A_16 : vector<64xi32> to vector<64x1xi32>
    %sub3A = vector.broadcast %get3A_11 : vector<64x1xf32> to vector<64x32768xf32>
    %sub3A_17 = arith.subf %get3A_1, %sub3A : vector<64x32768xf32>
    %mul3A = arith.constant 1.000000e+01 : f32
    %mul3A_18 = vector.broadcast %mul3A : f32 to vector<64x32768xf32>
    %mul3A_19 = arith.mulf %mul3A_18, %sub3A_17 : vector<64x32768xf32>
    %exp3A = math.exp %mul3A_19 : vector<64x32768xf32>
    %jit3A = arith.constant 0.000000e+00 : f32
    %broadcast_in_dim3A_20 = vector.broadcast %jit3A : f32 to vector<64x32768xf32>
    %select_n3A = arith.select %gt3A_15, %exp3A, %broadcast_in_dim3A_20 : vector<64x32768xi1>, vector<64x32768xf32>
    %reduce_sum3A_21 = arith.constant dense<0.000000e+00> : vector<64xf32>
    %reduce_sum3A_22 = vector.multi_reduction <add>, %select_n3A, %reduce_sum3A_21 [1] : vector<64x32768xf32> to vector<64xf32>
    %broadcast_in_dim3A_23 = vector.shape_cast %reduce_sum3A_22 : vector<64xf32> to vector<64x1xf32>
    %shift_right_arithmetic3A_24 = arith.constant 31 : i32
    %shift_right_arithmetic3A_25 = vector.broadcast %shift_right_arithmetic3A_24 : i32 to vector<64x1xi32>
    %shift_right_arithmetic3A_26 = arith.shrsi %get3A_8, %shift_right_arithmetic3A_25 : vector<64x1xi32>
    %and3A_27 = arith.constant 2147483647 : i32
    %and3A_28 = vector.broadcast %and3A_27 : i32 to vector<64x1xi32>
    %and3A_29 = arith.andi %shift_right_arithmetic3A_26, %and3A_28 : vector<64x1xi32>
    %xor3A_30 = arith.xori %get3A_8, %and3A_29 : vector<64x1xi32>
    %bitcast_convert_type3A_31 = tpu.bitcast %xor3A_30 : vector<64x1xi32> -> vector<64x1xf32>
    %sub3A_32 = arith.subf %bitcast_convert_type3A_31, %get3A_11 : vector<64x1xf32>
    %mul3A_33 = arith.constant 1.000000e+01 : f32
    %mul3A_34 = vector.broadcast %mul3A_33 : f32 to vector<64x1xf32>
    %mul3A_35 = arith.mulf %mul3A_34, %sub3A_32 : vector<64x1xf32>
    %exp3A_36 = math.exp %mul3A_35 : vector<64x1xf32>
    %sub3A_37 = arith.subf %get3A_14, %get3A_11 : vector<64x1xf32>
    %mul3A_38 = arith.constant 1.000000e+01 : f32
    %mul3A_39 = vector.broadcast %mul3A_38 : f32 to vector<64x1xf32>
    %mul3A_40 = arith.mulf %mul3A_39, %sub3A_37 : vector<64x1xf32>
    %exp3A_41 = math.exp %mul3A_40 : vector<64x1xf32>
    %sub3A_42 = arith.constant 328 : i32
    %sub3A_43 = vector.broadcast %sub3A_42 : i32 to vector<64x1xi32>
    %sub3A_44 = arith.subi %sub3A_43, %broadcast_in_dim3A : vector<64x1xi32>
    %convert_element_type3A_45 = arith.sitofp %sub3A_44 : vector<64x1xi32> to vector<64x1xf32>
    %mul3A_46 = arith.mulf %convert_element_type3A_45, %exp3A_36 : vector<64x1xf32>
    %add3A = arith.addf %broadcast_in_dim3A_23, %mul3A_46 : vector<64x1xf32>
    %lt3A = arith.cmpf olt, %get3A_14, %bitcast_convert_type3A_31 : vector<64x1xf32>
    %sub3A_47 = arith.subf %exp3A_41, %exp3A_36 : vector<64x1xf32>
    %jit3A_48 = arith.constant 0.000000e+00 : f32
    %broadcast_in_dim3A_49 = vector.broadcast %jit3A_48 : f32 to vector<64x1xf32>
    %select_n3A_50 = arith.select %lt3A, %sub3A_47, %broadcast_in_dim3A_49 : vector<64x1xi1>, vector<64x1xf32>
    %add3A_51 = arith.addf %add3A, %select_n3A_50 : vector<64x1xf32>
    %log3A = math.log %add3A_51 : vector<64x1xf32>
    %mul3A_52 = arith.constant 1.000000e+01 : f32
    %mul3A_53 = vector.broadcast %mul3A_52 : f32 to vector<64x1xf32>
    %mul3A_54 = arith.mulf %mul3A_53, %get3A_11 : vector<64x1xf32>
    %add3A_55 = arith.addf %log3A, %mul3A_54 : vector<64x1xf32>
    %mul3A_56 = arith.constant 1.000000e+01 : f32
    %mul3A_57 = vector.broadcast %mul3A_56 : f32 to vector<64x1xf32>
    %mul3A_58 = arith.mulf %mul3A_57, %get3A_14 : vector<64x1xf32>
    %sub3A_59 = arith.subf %add3A_55, %mul3A_58 : vector<64x1xf32>
    %reduce_sum3A_60 = vector.shape_cast %sub3A_59 : vector<64x1xf32> to vector<1x64x1xf32>
    %reduce_sum3A_61 = arith.constant dense<0.000000e+00> : vector<1xf32>
    %reduce_sum3A_62 = vector.multi_reduction <add>, %reduce_sum3A_60, %reduce_sum3A_61 [1, 2] : vector<1x64x1xf32> to vector<1xf32>
    %reduce_sum3A_63 = vector.shape_cast %reduce_sum3A_62 : vector<1xf32> to vector<1x1x1xf32>
    %reduce_sum3A_64 = vector.extract %reduce_sum3A_63[0, 0, 0] : f32 from vector<1x1x1xf32>
    %div3A = arith.constant 6.400000e+01 : f32
    %div3A_65 = arith.divf %reduce_sum3A_64, %div3A : f32
    %swap3A = arith.constant 0 : index
    %swap3A_66 = arith.constant 0 : index
    %swap3A_67 = memref.load %arg4[%swap3A, %swap3A_66] : memref<1x1xf32, #tpu.memory_space<smem>>
    memref.store %div3A_65, %arg4[%swap3A, %swap3A_66] : memref<1x1xf32, #tpu.memory_space<smem>>
    return
  }
}

module attributes {stable_mosaic.version = 14 : i64} {
  func.func @_tc_stats_body(%arg0: memref<64x32768xf32, #tpu.memory_space<vmem>>, %arg1: memref<64x1xi32, #tpu.memory_space<vmem>>, %arg2: memref<64x1xf32, #tpu.memory_space<vmem>>, %arg3: memref<64x1xf32, #tpu.memory_space<vmem>>) attributes {dimension_semantics = [], scalar_prefetch = 0 : i64, scratch_operands = 0 : i64, tpu.core_type = #tpu.core_type<tc>} {
    %get3A = arith.constant 0 : index
    %get3A_0 = arith.constant 0 : index
    %get3A_1 = vector.load %arg0[%get3A, %get3A_0] : memref<64x32768xf32, #tpu.memory_space<vmem>>, vector<64x32768xf32>
    %reduce_max3A = arith.constant dense<0xFF800000> : vector<64xf32>
    %reduce_max3A_2 = vector.multi_reduction <maximumf>, %get3A_1, %reduce_max3A [1] : vector<64x32768xf32> to vector<64xf32>
    %broadcast_in_dim3A = vector.shape_cast %reduce_max3A_2 : vector<64xf32> to vector<64x1xf32>
    %swap3A = arith.constant 0 : index
    %swap3A_3 = arith.constant 0 : index
    %swap3A_4 = vector.load %arg2[%swap3A, %swap3A_3] : memref<64x1xf32, #tpu.memory_space<vmem>>, vector<64x1xf32>
    tpu.vector_store %arg2[%swap3A, %swap3A_3], %broadcast_in_dim3A {strides = array<i32>} : memref<64x1xf32, #tpu.memory_space<vmem>>, vector<64x1xf32>,
    %iota3A = tpu.iota {dimensions = array<i32: 1>} : vector<64x32768xi32>
    %get3A_5 = arith.constant 0 : index
    %get3A_6 = arith.constant 0 : index
    %get3A_7 = vector.load %arg1[%get3A_5, %get3A_6] : memref<64x1xi32, #tpu.memory_space<vmem>>, vector<64x1xi32>
    %eq3A = vector.broadcast %get3A_7 : vector<64x1xi32> to vector<64x32768xi32>
    %eq3A_8 = arith.cmpi eq, %iota3A, %eq3A : vector<64x32768xi32>
    %jit3A = arith.constant 0.000000e+00 : f32
    %broadcast_in_dim3A_9 = vector.broadcast %jit3A : f32 to vector<64x32768xf32>
    %select_n3A = arith.select %eq3A_8, %get3A_1, %broadcast_in_dim3A_9 : vector<64x32768xi1>, vector<64x32768xf32>
    %reduce_sum3A = arith.constant dense<0.000000e+00> : vector<64xf32>
    %reduce_sum3A_10 = vector.multi_reduction <add>, %select_n3A, %reduce_sum3A [1] : vector<64x32768xf32> to vector<64xf32>
    %broadcast_in_dim3A_11 = vector.shape_cast %reduce_sum3A_10 : vector<64xf32> to vector<64x1xf32>
    %swap3A_12 = arith.constant 0 : index
    %swap3A_13 = arith.constant 0 : index
    %swap3A_14 = vector.load %arg3[%swap3A_12, %swap3A_13] : memref<64x1xf32, #tpu.memory_space<vmem>>, vector<64x1xf32>
    tpu.vector_store %arg3[%swap3A_12, %swap3A_13], %broadcast_in_dim3A_11 {strides = array<i32>} : memref<64x1xf32, #tpu.memory_space<vmem>>, vector<64x1xf32>,
    return
  }
}

</mosaic_0001>

<sc_bundles>
// kernel: kernel.5.cloned.1.call-start
scs
__scs_entry_jumppad:
0x0: {  	(pc) =	sbr.rel $0x88, $3  }
0x1: {  	(tag) =	ssettag $0x0;
	lr =	simm.s32 $0x1  }
0x2: {  	[smem:$0x3F9F] =	sst lr;
	_ =	strace $0xD0000000  }
0x3: {  	_ = 	snop  }
0x4: {  	_ = 	snop  }
0x5: {  	_ = 	snop  }
0x6: {  	_ = 	snop  }
0x7: {  	_ = 	snop  }
__scs_overlays_trampoline_lowered:
0x8: {  	[smem:$0x3FAE] =	sst s0  }
0x9: {  	[smem:$0x3FAF] =	sst s1  }
0xa: {  	[smem:$0x3FB0] =	sst s2  }
0xb: {  	[smem:$0x3FB1] =	sst s3  }
0xc: {  	[smem:$0x3FB2] =	sst s4  }
0xd: {  	[smem:$0x3FB3] =	sst s5  }
0xe: {  	[smem:$0x3FB4] =	sst s6  }
0xf: {  	[smem:$0x3FB5] =	sst s7  }
0x10: {  	[smem:$0x3FB6] =	sst s8  }
0x11: {  	[smem:$0x3FB7] =	sst s9;
	s0 =	simm.s32 @!p0 $0x0  }
0x12: {  	s1 =	sld [smem:$0x3F9D];
	s0 =	simm.s32 @p0 $0x1  }
0x13: {  	[smem:$0x3FB8] =	sst s0;
	s0 =	simm.s32 @!p1 $0x0  }
0x14: {  	s2 =	sld [smem:$0x3F9C];
	s0 =	simm.s32 @p1 $0x1  }
0x15: {  	[smem:$0x3FB9] =	sst s0;
	s0 =	simm.s32 @!p2 $0x0  }
0x16: {  	s3 =	sld [smem:$0x3FDB];
	s0 =	simm.s32 @p2 $0x1  }
0x17: {  	s4 =	simm.s32 $0x1BF5;
	[smem:$0x3FBB] =	sst s0  }
0x18: {  	s0 =	sld [smem:$0x3F9E];
	_ =	swait.ge [sflag:s4], $0x0  }
0x19: {  	s7 =	sld [smem:$0x3F9F]  }
0x1a: {  	s8 =	sadd.s32 $0xFFFFE003, lr  }
0x1b: {  	s9 =	sadd.s32 $0xFFFFFEF7, lr;
	s5 =	simm.s32 $0xFFFFFFFF;
	p2 =	slt.u32 s8, $0xFFFFF086  }
0x1c: {  	p1 =	slt.u32 s9, $0xF7A;
	s5 =	simm.s32 @!p2 $0x0  }
0x1d: {  	s5 =	simm.s32 @p1 $0x1;
	p0 =	seq.s32 s7, s2  }
0x1e: {  	s7 =	smul.u32 @!p0 $0xF7A, s2;
	p2 =	seq.s32 @!p0 s5, $0x0  }
0x1f: {  	s9 =	smul.u32 $0xF7A, s1;
	s8 =	simm.s32 @!p0 $0x1BF5;
	p2 =	por !p2, p0  }
0x20: {  	[sflag:s8] =	ssyncset.s32 @!p0 $0xFFFFF086;
	s6 =	sadd.s32 @!p0 s3, s7;
	s7 =	simm.s32 @!p0 $0x108  }
0x21: {  	s3 =	sadd.s32 s3, s9;
	s6 =	sadd.s32 @!p0 $0x88, s6;
	s7 =	simm.s32 @p2 $0x1082  }
0x22: {  	[simem:s7], [sflag:s8] =	dma.local @!p0 [hbm:s6], $0xF7A  }
0x23: {  	s9 =	sor.u32 $0xD0000000, s2;
	s6 =	simm.s32 $0x108;
	_ =	swait.ge @!p0 [sflag:s8], $0x0  }
0x24: {  	s3 =	sadd.s32 $0x88, s3;
	s6 =	simm.s32 @!p1 $0x1082;
	[sflag:s4] =	ssyncset.s32 $0xFFFFF086  }
0x25: {  	[simem:s6], [sflag:s4] =	dma.local [hbm:s3], $0xF7A  }
0x26: {  	[smem:$0x3F9F] =	sst s1;
	(tag) =	ssettag s2;
	_ =	strace s9  }
0x27: {  	s1 =	sld [smem:$0x3FAF]  }
0x28: {  	s2 =	sld [smem:$0x3FB0]  }
0x29: {  	s4 =	sld [smem:$0x3FB2]  }
0x2a: {  	p0 =	seq.s32 s5, $0x0;
	s5 =	sld [smem:$0x3FB3]  }
0x2b: {  	s6 =	sld [smem:$0x3FB4]  }
0x2c: {  	s7 =	sld [smem:$0x3FB5]  }
0x2d: {  	s3 =	simm.s32 $0x108;
	s8 =	sld [smem:$0x3FB6]  }
0x2e: {  	s3 =	simm.s32 @!p0 $0x1082;
	s9 =	sld [smem:$0x3FB7]  }
0x2f: {  	lr =	sadd.s32 s0, s3;
	s0 =	sld [smem:$0x3FAE]  }
0x30: {  	s3 =	sld [smem:$0x3FB1]  }
0x31: {  	[smem:$0x3FBA] =	sst s10  }
0x32: {  	s10 =	sld [smem:$0x3FB8];
	_ =	sdelay $0x3  }
0x33: {  	p0 =	seq.s32 s10, $0x1;
	s10 =	sld [smem:$0x3FBA];
	_ =	sdelay $0x3  }
0x34: {  	[smem:$0x3FBA] =	sst s10  }
0x35: {  	s10 =	sld [smem:$0x3FB9];
	_ =	sdelay $0x3  }
0x36: {  	p1 =	seq.s32 s10, $0x1;
	s10 =	sld [smem:$0x3FBA];
	_ =	sdelay $0x3  }
0x37: {  	[smem:$0x3FBA] =	sst s10  }
0x38: {  	s10 =	sld [smem:$0x3FBB]  }
0x39: {  	_ = 	snop;
	(pc) =	sbr.ind lr, $3  }
0x3a: {  	_ = 	snop  }
0x3b: {  	_ = 	snop  }
0x3c: {  	p2 =	seq.s32 s10, $0x1;
	s10 =	sld [smem:$0x3FBA]  }
0x3d: {  	_ =	shalt  }
0x3e: {  	_ =	shalt  }
0x3f: {  	_ =	shalt  }
0x40: {  	_ =	shalt  }
0x41: {  	_ =	shalt  }
0x42: {  	_ =	shalt  }
0x43: {  	_ =	shalt  }
0x44: {  	_ =	shalt  }
0x45: {  	_ =	shalt  }
0x46: {  	_ =	shalt  }
0x47: {  	_ =	shalt  }
0x48: {  	_ =	shalt  }
0x49: {  	_ =	shalt  }
0x4a: {  	_ =	shalt  }
0x4b: {  	_ =	shalt  }
0x4c: {  	_ =	shalt  }
0x4d: {  	_ =	shalt  }
0x4e: {  	_ =	shalt  }
0x4f: {  	_ =	shalt  }
0x50: {  	_ =	shalt  }
0x51: {  	_ =	shalt  }
0x52: {  	_ =	shalt  }
0x53: {  	_ =	shalt  }
0x54: {  	_ =	shalt  }
0x55: {  	_ =	shalt  }
0x56: {  	_ =	shalt  }
0x57: {  	_ =	shalt  }
0x58: {  	_ =	shalt  }
0x59: {  	_ =	shalt  }
0x5a: {  	_ =	shalt  }
0x5b: {  	_ =	shalt  }
0x5c: {  	_ =	shalt  }
0x5d: {  	_ =	shalt  }
0x5e: {  	_ =	shalt  }
0x5f: {  	_ =	shalt  }
0x60: {  	_ =	shalt  }
0x61: {  	_ =	shalt  }
0x62: {  	_ =	shalt  }
0x63: {  	_ =	shalt  }
0x64: {  	_ =	shalt  }
0x65: {  	_ =	shalt  }
0x66: {  	_ =	shalt  }
0x67: {  	_ =	shalt  }
0x68: {  	_ =	shalt  }
0x69: {  	_ =	shalt  }
0x6a: {  	_ =	shalt  }
0x6b: {  	_ =	shalt  }
0x6c: {  	_ =	shalt  }
0x6d: {  	_ =	shalt  }
0x6e: {  	_ =	shalt  }
0x6f: {  	_ =	shalt  }
0x70: {  	_ =	shalt  }
0x71: {  	_ =	shalt  }
0x72: {  	_ =	shalt  }
0x73: {  	_ =	shalt  }
0x74: {  	_ =	shalt  }
0x75: {  	_ =	shalt  }
0x76: {  	_ =	shalt  }
0x77: {  	_ =	shalt  }
0x78: {  	_ =	shalt  }
0x79: {  	_ =	shalt  }
0x7a: {  	_ =	shalt  }
0x7b: {  	_ =	shalt  }
0x7c: {  	_ =	shalt  }
0x7d: {  	_ =	shalt  }
0x7e: {  	_ =	shalt  }
0x7f: {  	_ =	shalt  }
0x80: {  	_ =	shalt  }
0x81: {  	_ =	shalt  }
0x82: {  	_ =	shalt  }
0x83: {  	_ =	shalt  }
0x84: {  	_ =	shalt  }
0x85: {  	_ =	shalt  }
0x86: {  	_ =	shalt  }
0x87: {  	_ =	shalt  }
.Lfunc_end0:
.L_simem_size_0:
called_computation_lowered:
.L_overlay_start_0:
0x88: {  	s2 =	sld [smem:$0x3FD9]  }
0x89: {  	s3 =	sld [smem:$0x3FFE];
	_ =	sdelay $0x1  }
0x8a: {  	s1 =	srdreg.scid  }
0x8b: {  	s0 =	sand.u32 $0x1, s1  }
0x8c: {  	s17 =	sshll.u32 s0, $0xA;
	s2 =	sadd.s32 s3, s2  }
0x8d: {  	s2 =	sadd.s32 s2, s17  }
0x8e: {  	[smem:$0x3FC6] =	sst s2  }
0x8f: {  	_ = 	snop  }
0x90: {  	s2 =	sld [smem:$0x3FC9];
	(tm) =	ssettm $0x1  }
0x91: {  	s18 =	sld [smem:$0x3FFB];
	_ =	sdelay $0x3  }
0x92: {  	_ =	strace s18  }
0x93: {  	s3 =	sld [smem:$0x3FFC];
	_ =	sdelay $0x3  }
0x94: {  	_ =	strace s3  }
0x95: {  	s3 =	sld [smem:$0x3FFD];
	_ =	sdelay $0x3  }
0x96: {  	_ =	strace s3  }
0x97: {  	_ =	strace $0x8FFFFFFF  }
0x98: {  	s19 =	sld [smem:$0x3FDB];
	_ =	sdelay $0x1  }
0x99: {  	s4 =	simm.s32 $_scs_section_size  }
0x9a: {  	s5 =	simm.s32 $_size__tile_overlayer_lowered;
	s6 =	simm.s32 $_tile_overlayer_lowered  }
0x9b: {  	s22 =	simm.s32 $0x1BFF;
	s21 =	sshll.u32 s6, $0x1;
	s3 =	sadd.s32 s4, s19  }
0x9c: {  	s7 =	simm.s32 $0x0;
	s20 =	sshll.u32 s5, $0x1;
	s5 =	sadd.s32 s21, s3  }
0x9d: {  	[timem:s7], [sflag:s22] =	dma.local [hbm:s5], s20  }
0x9e: {  	_ =	swait.ge [sflag:s22], s20  }
0x9f: {  	s4 =	ssub.s32 $0x0, s20;
	[sflag:s22] =	ssyncset.done $0x0  }
0xa0: {  	[sflag:s22] =	ssyncadd.s32 s4;
	_ =	sdelay $0x1  }
0xa1: {  	s23 =	simm.s32 $0x1B8B  }
0xa2: {  	_ =	swait.ge [sflag:s23], $0x1  }
0xa3: {  	[sflag:s23] =	ssyncset.done $0x0  }
0xa4: {  	s25 =	simm.s32 $0x1B8E;
	s24 =	sld [smem:$0x3FFE];
	[sflag:s23] =	ssyncadd.s32 $0xFFFFFFFF  }
0xa5: {  	s26 =	simm.s32 $execute0_lowered;
	[smem:$0x3FD2] =	sst s25  }
0xa6: {  	s5 =	sshll.u32 s26, $0x1;
	_ =	strace $0x80000046;
	[dreg:$0x1] =	wrdreg $0xFFFFFFFF  }
0xa7: {  	s28 =	simm.s32 $_size_execute0_lowered;
	s3 =	sadd.s32 s3, s5;
	[dreg:$0x0] =	wrdreg $0x0  }
0xa8: {  	s5 =	sshll.u32 s28, $0x1;
	[dreg:$0x2] =	wrdreg s3  }
0xa9: {  	[dreg:$0x3] =	wrdreg s5  }
0xaa: {  	[dreg:$0x4] =	wrdreg $0xC0  }
0xab: {  	_ =	task [dreg:s7], $0x5FFFF  }
0xac: {  	[dreg:$0x1] =	wrdreg $0xFFFFFFFF  }
0xad: {  	[dreg:$0x0] =	wrdreg $0x60  }
0xae: {  	[dreg:$0x2] =	wrdreg s2  }
0xaf: {  	[dreg:$0x3] =	wrdreg s24  }
0xb0: {  	[dreg:$0x4] =	wrdreg $0x9  }
0xb1: {  	_ =	task.clear_ibuf [dreg:s7], $0x5FFFF;
	_ =	strace $0x90000046  }
0xb2: {  	s29 =	simm.s32 $0x9;
	_ =	strace $0x80000048  }
0xb3: {  	_ =	swait.ge [sflag:s29], $0x1  }
0xb4: {  	[sflag:s29] =	ssyncadd.s32 $0xFFFFFFFF  }
0xb5: {  	_ =	strace $0x90000048  }
0xb6: {  	_ =	sfence  }
0xb7: {  	s30 =	sld [smem:$0x0];
	_ =	sdelay $0x2  }
0xb8: {  	s31 =	sshll.u32 s1, $0xD;
	s1 =	sshrl.u32 s1, $0x2  }
0xb9: {  	s3 =	sand.u32 $0x4000, s31;
	s1 =	sadd.s32 s1, s30  }
0xba: {  	s0 =	sor.u32 s3, s0;
	s1 =	sshll.u32 s1, $0x11  }
0xbb: {  	s0 =	sor.u32 s1, s0  }
0xbc: {  	s0 =	sadd.s32 $0x8F2B, s0  }
0xbd: {  	[sflag:s0] =	ssyncadd.remote.s32 $0x1  }
0xbe: {  	_ =	sfence.sel $0xFFFF  }
0xbf: {  	[dreg:$0x0] =	wrdreg $0xFFFFFFFF;
	(pc) =	sbr.abs _section_cstart, $3  }
0xc0: {  	[dreg:$0x1] =	wrdreg $0xFFFFFFFF  }
0xc1: {  	_ =	task.clear_ibuf [dreg:s7], $0x2FFFF;
	_ =	strace $0x9FFFFFFF  }
0xc2: {  	(tm) =	ssettm $0x7FFFFFFF  }
0xc3: {  	_ =	shalt  }
tec
execute0_lowered:
.L_overlay_start_1:
0x0: {  	(tag) =	ssettag $0x1  }
0x1: {  	s0 =	rddreg [dreg:$0x0]  }
0x2: {  	s1 =	rddreg [dreg:$0x1]  }
0x3: {  	s17 =	simm.s32 $0x0;
	s3 =	srdreg.scid;
	s2 =	stileid.u32  }
0x4: {  	s10 =	simm.s32 $0x2;
	s12 =	simm.s32 $0x1;
	[smem:$0x7FF] =	sst s17  }
0x5: {  	s3 =	sand.u32 $0x1, s3;
	s4 =	sshll.u32 s2, $0x9;
	s6 =	sshrl.u32 s2, $0x1  }
0x6: {  	s1 =	sadd.s32 $0xC00, s1;
	_ =	strace $0x80000047;
	s5 =	sshll.u32 s3, $0x8  }
0x7: {  	s4 =	sand.u32 $0x200, s4;
	s3 =	ssub.s32 $0x2, s3;
	s23 =	sshll.u32 s6, $0x12  }
0x8: {  	s6 =	sshll.u32 s6, $0xA;
	s4 =	sor.u32 s5, s4;
	s7 =	sshrl.u32 s3, $0x1  }
0x9: {  	s8 =	sor.u32 s23, s4;
	s3 =	ssub.s32 s3, s7;
	s25 =	sor.u32 $0x80, s4  }
0xa: {  	s4 =	sor.u32 s6, s4;
	s24 =	sshrl.u32 s8, $0x3;
	s5 =	sor.u32 s23, s25  }
0xb: {  	s6 =	sor.u32 s6, s25;
	s31 =	smax.u32 s3, $0x1;
	s26 =	sadd.s32 s0, s24  }
.Ltmp0:
0xc: {  	s5 =	sshrl.u32 s5, $0x3;
	[dreg:$0x7] =	wrdreg s31;
	(pc) =	sbr.rel .LBB2_1-.Ltmp0, $4  }
0xd: {  	s29 =	sshrl.u32 s6, $0x3;
	[dreg:$0x3] =	wrdreg s26;
	s0 =	sadd.s32 s0, s5  }
0xe: {  	s28 =	sshrl.u32 s4, $0x3;
	s30 =	sadd.s32 s1, s29;
	[dreg:$0x4] =	wrdreg s0  }
0xf: {  	s13 =	simm.s32 $0x20000000;
	s0 =	sadd.s32 s1, s28;
	[dreg:$0x6] =	wrdreg s30  }
0x10: {  	vm4 =	vmxor vm4, vm4;
	v0 =	vimm.s32 $0x80000000;
	v1 =	vimm.s32 $0x0;
	s15 =	simm.s32 $0x40000000;
	s16 =	simm.s32 $0x0;
	[dreg:$0x5] =	wrdreg s0  }
.LBB2_30:
0x11: {  	v2 =	vmov s8  }
0x12: {  	s0 =	rddreg [dreg:$0x6];
	[tilespmem:$0x1FB00] =	vst v2  }
0x13: {  	[hbm4b:s0+s17] =	stream.linear.scatter [tilespmem:s6], [sflag:$0x2], $0x80, $0x38;
	[tilespmem:$0x1FB80] =	vst v63  }
0x14: {  	_ =	swait.ge [sflag:s10], $0x80  }
0x15: {  	s16 =	sadd.s32 $0x1, s16;
	s31 =	rddreg [dreg:$0x7]  }
0x16: {  	p0 =	sne.s32 s16, s31  }
.Ltmp1:
0x17: {  	_ = 	snop;
	(pc) =	sbr.rel @!p0 .LBB2_31-.Ltmp1, $3  }
0x18: {  	_ =	sdelay $0x1  }
0x19: {  	[sflag:s10] =	ssyncset.done $0x0  }
0x1a: {  	[sflag:s10] =	ssyncadd.s32 $0xFFFFFF80  }
.LBB2_1:
0x1b: {  	s0 =	rddreg [dreg:$0x3];
	s1 =	simm.s32 $0x80;
	s2 =	simm.s32 $0x400  }
0x1c: {  	[tilespmem:s17], [sflag:$0x2] =	stream.strided.gather [hbm4b:s0+s1], $0x8000, s2, s1, $0x38;
	[tilespmem:$0x1FB80] =	vst v63  }
0x1d: {  	_ =	swait.ge [sflag:s10], $0x8000  }
0x1e: {  	s3 =	simm.s32 $0x8000;
	[sflag:s10] =	ssyncset.done $0x0  }
0x1f: {  	s23 =	simm.s32 $0x40;
	s22 =	rddreg [dreg:$0x4];
	[sflag:s10] =	ssyncadd.s32 $0xFFFF8000  }
0x20: {  	[tilespmem:s3], [sflag:$0x1] =	stream.strided.gather [hbm4b:s22+s1], $0x8000, s2, s1, $0x38;
	[tilespmem:$0x1FB80] =	vst v63  }
0x21: {  	v2 =	vld [tilespmem:s23+$0xFFFFFFE0]  }
0x22: {  	v5 =	vld [tilespmem:s23+$0x30]  }
0x23: {  	v3 =	vld [tilespmem:s23+$0xFFFFFFF0]  }
0x24: {  	v4 =	vld [tilespmem:s23+$0x0]  }
0x25: {  	v7 =	vld [tilespmem:s23+$0xFFFFFFC0];
	_ =	sdelay $0x1  }
0x26: {  	v6 =	vld [tilespmem:s23+$0x20]  }
0x27: {  	p0 =	por $0x1, $0x1;
	vm9 =	vmmov vm4;
	v20 =	vimm.s32 $0x0;
	vm13 =	vmmov vm4;
	v9 =	vld [tilespmem:s23+$0xFFFFFFD0]  }
0x28: {  	vm9 =	vmneg @p0 vm9;
	v8 =	vshra.s32 v2, $0x1F;
	v10 =	vshra.s32 v5, $0x1F  }
0x29: {  	v11 =	vshra.s32 v3, $0x1F;
	v12 =	vshra.s32 v4, $0x1F;
	v13 =	vshra.s32 v7, $0x1F  }
0x2a: {  	v8 =	vand.u32 $0x7FFFFFFF, v8;
	v12 =	vand.u32 $0x7FFFFFFF, v12;
	v13 =	vand.u32 $0x7FFFFFFF, v13  }
0x2b: {  	v11 =	vand.u32 $0x7FFFFFFF, v11;
	v10 =	vand.u32 $0x7FFFFFFF, v10;
	v2 =	vxor.u32 v2, v8  }
0x2c: {  	v8 =	vshra.s32 v6, $0x1F;
	v16 =	vxor.u32 v4, v12;
	v4 =	vshra.s32 v9, $0x1F  }
0x2d: {  	v15 =	vld [tilespmem:s23+$0x10];
	v3 =	vxor.u32 v3, v11;
	v17 =	vxor.u32 v7, v13;
	v13 =	vimm.s32 $0x0  }
0x2e: {  	vm1 =	vgt.s32 v2, $0x3FFFFFFF;
	vm0 =	vgt.s32 v16, $0x3FFFFFFF;
	vm5 =	vgt.s32 v3, $0x3FFFFFFF  }
0x2f: {  	vm6 =	vgt.s32 v17, $0x3FFFFFFF;
	v4 =	vand.u32 $0x7FFFFFFF, v4;
	v14 =	vmpcnt.ones.xlane vm1  }
0x30: {  	v7 =	vmpcnt.ones.xlane vm5;
	v11 =	vmpcnt.ones.xlane vm6;
	v4 =	vxor.u32 v9, v4  }
0x31: {  	v9 =	vmpcnt.ones.xlane vm0;
	vm1 =	vmmov vm1;
	(v2sf) =	vpush v14, $0x0  }
0x32: {  	vm7 =	vgt.s32 v4, $0x3FFFFFFF;
	(v2sf) =	vpush v7, $0x0;
	v7 =	vshra.s32 v15, $0x1F  }
0x33: {  	v12 =	vmpcnt.ones.xlane vm7;
	(v2sf) =	vpush v11, $0x0;
	v7 =	vand.u32 $0x7FFFFFFF, v7  }
0x34: {  	v11 =	vand.u32 $0x7FFFFFFF, v8;
	(v2sf) =	vpush v9, $0x0;
	v9 =	vxor.u32 v15, v7  }
0x35: {  	s24 =	simm.s32 $0xC0;
	v8 =	vxor.u32 v5, v10;
	v5 =	vxor.u32 v6, v11;
	vm3 =	vgt.s32 v9, $0x3FFFFFFF  }
0x36: {  	v7 =	vld [tilespmem:s24+$0xFFFFFFE0];
	(v2sf) =	vpush v12, $0x0;
	vm8 =	vgt.s32 v5, $0x3FFFFFFF;
	v6 =	vmpcnt.ones.xlane vm3  }
0x37: {  	vm2 =	vgt.s32 v8, $0x3FFFFFFF;
	v10 =	vmpcnt.ones.xlane vm8;
	vm3 =	vmmov vm3  }
0x38: {  	v11 =	vld [tilespmem:s24+$0x30];
	vm2 =	vmmov vm2;
	v13 =	vsel vm3, $0xFFFFFFFF, v13;
	(v2sf) =	vpush v6, $0x0  }
0x39: {  	v6 =	vmpcnt.ones.xlane vm2;
	(v2sf) =	vpush v10, $0x0;
	v10 =	vimm.s32 $0x0  }
0x3a: {  	vm0 =	vmmov vm0;
	vm11 =	vmand vm9, vm6;
	v12 =	vld [tilespmem:s24+$0x20];
	[tilespmem:$0x1FFD0] =	vst v13;
	v10 =	vsel vm1, $0xFFFFFFFF, v10  }
0x3b: {  	vm6 =	vmmov vm5;
	v13 =	vld [tilespmem:s24+$0xFFFFFFF0];
	(v2sf) =	vpush v6, $0x0;
	v6 =	vshra.s32 v7, $0x1F;
	[tilespmem:$0x1FFE0] =	vst v10  }
0x3c: {  	vm9 =	vmmov vm4;
	vm5 =	vmmov vm7;
	v6 =	vand.u32 $0x7FFFFFFF, v6;
	v10 =	vld [tilespmem:s24+$0x0]  }
0x3d: {  	vm14 =	vmmov vm8;
	v15 =	vshra.s32 v11, $0x1F;
	v14 =	vld [tilespmem:s24+$0xFFFFFFC0];
	v6 =	vxor.u32 v7, v6  }
0x3e: {  	vm3 =	vmmov vm4;
	v15 =	vand.u32 $0x7FFFFFFF, v15;
	v18 =	vld [tilespmem:s24+$0xFFFFFFD0];
	vm1 =	vgt.s32 v6, $0x3FFFFFFF  }
0x3f: {  	v7 =	vshra.s32 v12, $0x1F;
	v20 =	vsel vm1, $0xFFFFFFFF, v20;
	v61 =	vmpcnt.ones.xlane vm1  }
0x40: {  	v11 =	vxor.u32 v11, v15;
	v7 =	vand.u32 $0x7FFFFFFF, v7;
	v15 =	vshra.s32 v13, $0x1F;
	[tilespmem:$0x1FFF0] =	vst v20  }
0x41: {  	v7 =	vxor.u32 v12, v7;
	s25 =	spop (v2sf);
	v21 =	vld [tilespmem:s24+$0x10];
	(v2sf) =	vpush v61, $0x0;
	v19 =	vshra.s32 v10, $0x1F  }
0x42: {  	[tilespmem:s17+$0x10000] =	vst.msk vm11, v17;
	vm11 =	vgt.s32 v7, $0x3FFFFFFF;
	v12 =	vshra.s32 v14, $0x1F;
	s4 =	spop (v2sf);
	v19 =	vand.u32 $0x7FFFFFFF, v19  }
0x43: {  	v22 =	vand.u32 $0x7FFFFFFF, v12;
	v12 =	vand.u32 $0x7FFFFFFF, v15;
	s26 =	spop (v2sf);
	v15 =	vshra.s32 v18, $0x1F  }
0x44: {  	v10 =	vxor.u32 v10, v19;
	v12 =	vxor.u32 v13, v12;
	s5 =	spop (v2sf);
	v13 =	vxor.u32 v14, v22  }
0x45: {  	s0 =	sadd.s32 $0x0, s26;
	v14 =	vand.u32 $0x7FFFFFFF, v15;
	vm10 =	vgt.s32 v10, $0x3FFFFFFF;
	vm7 =	vgt.s32 v12, $0x3FFFFFFF;
	s28 =	spop (v2sf)  }
0x46: {  	vm1 =	vgt.s32 v13, $0x3FFFFFFF;
	v14 =	vxor.u32 v18, v14;
	s1 =	sadd.s32 s0, s28;
	v15 =	vshra.s32 v21, $0x1F  }
0x47: {  	v19 =	vmpcnt.ones.xlane vm7;
	v18 =	vmpcnt.ones.xlane vm1;
	s9 =	sadd.s32 s1, s25;
	v15 =	vand.u32 $0x7FFFFFFF, v15  }
0x48: {  	vm8 =	vgt.s32 v14, $0x3FFFFFFF;
	v62 =	vmpcnt.ones.xlane vm10;
	s4 =	sadd.s32 s9, s4;
	v15 =	vxor.u32 v21, v15  }
0x49: {  	v63 =	vmpcnt.ones.xlane vm8;
	s29 =	spop (v2sf);
	(v2sf) =	vpush v19, $0x0;
	p0 =	slt.s32 s4, $0x7D00;
	s14 =	sadd.s32 s4, s5;
	vm12 =	vgt.s32 v15, $0x3FFFFFFF  }
0x4a: {  	(v2sf) =	vpush v18, $0x0;
	vm3 =	vmneg @p0 vm3;
	p0 =	slt.s32 s14, $0x7D00;
	s11 =	sadd.s32 s14, s29;
	v18 =	vmpcnt.ones.xlane vm12  }
0x4b: {  	s30 =	spop (v2sf);
	vm15 =	vmand vm0, vm3;
	vm13 =	vmneg @p0 vm13;
	p0 =	slt.s32 s11, $0x7D00;
	vm3 =	vmmov vm4  }
0x4c: {  	s8 =	simm.s32 $0x140;
	(v2sf) =	vpush v62, $0x0;
	s23 =	sadd.s32 s11, s30;
	vm0 =	vgt.s32 v11, $0x3FFFFFFF;
	vm3 =	vmneg @p0 vm3  }
0x4d: {  	s3 =	simm.s32 $0x8;
	s31 =	spop (v2sf);
	(v2sf) =	vpush v63, $0x0;
	p0 =	slt.s32 s23, $0x7D00;
	vm14 =	vmand vm14, vm3;
	vm3 =	vmmov vm4  }
0x4e: {  	p2 =	slt.s32 s1, $0x7D00;
	p1 =	slt.s32 s9, $0x7D00;
	[tilespmem:s4+$0x10000] =	vst.msk vm15, v16;
	s17 =	sadd.s32 s23, s31;
	v16 =	vmpcnt.ones.xlane vm11;
	(v2sf) =	vpush v18, $0x0;
	vm3 =	vmneg @p0 vm3  }
.LBB2_2:
0x4f: {  	v18 =	vld [tilespmem:$0x1FFD0];
	_ =	sdelay $0x4  }
0x50: {  	(v2sf) =	vpush v16, $0x0;
	v16 =	vld [tilespmem:$0x1FFE0];
	vm4 =	vnez.u8 v18  }
0x51: {  	vm15 =	vmmov vm9;
	v18 =	vimm.s32 $0x0;
	vm13 =	vmand vm4, vm13  }
0x52: {  	v19 =	vld [tilespmem:s8+$0xFFFFFFF0];
	vm4 =	vmand vm2, vm3;
	vm2 =	vmmov vm0;
	vm0 =	vmmov vm12  }
0x53: {  	vm15 =	vmneg @p2 vm15;
	v18 =	vsel vm0, $0xFFFFFFFF, v18;
	[tilespmem:s14+$0x10000] =	vst.msk vm13, v9;
	v9 =	vmov v15;
	v15 =	vld [tilespmem:s8+$0x20]  }
0x54: {  	vm3 =	vmmov vm10;
	vm10 =	vmmov vm9;
	vm12 =	vmmov vm9;
	[tilespmem:$0x1FFD0] =	vst v18;
	v18 =	vld [tilespmem:s8+$0x30]  }
0x55: {  	p2 =	slt.s32 s0, $0x7D00;
	vm0 =	vnez.u8 v16;
	vm10 =	vmneg @p1 vm10;
	v16 =	vmpcnt.ones.xlane vm2;
	[tilespmem:s23+$0x10000] =	vst.msk vm4, v8;
	v8 =	vmovc v11;
	v11 =	vld [tilespmem:$0x1FFF0]  }
0x56: {  	vm12 =	vmneg @p2 vm12;
	vm13 =	vmmov vm9;
	vm0 =	vmand vm0, vm15  }
0x57: {  	v17 =	vld [tilespmem:s8+$0xFFFFFFE0];
	p1 =	slt.s32 s17, $0x7D00;
	[tilespmem:s11+$0x10000] =	vst.msk vm14, v5;
	vm6 =	vmand vm6, vm10;
	vm4 =	vmmov vm9;
	vm5 =	vmand vm5, vm12;
	s4 =	spop (v2sf)  }
0x58: {  	vm15 =	vmmov vm11;
	vm4 =	vmneg @p1 vm4;
	(v2sf) =	vpush v16, $0x0;
	[tilespmem:s0+$0x10000] =	vst.msk vm5, v4;
	v4 =	vmovc v14;
	v14 =	vld [tilespmem:s8+$0xFFFFFFC0];
	s5 =	spop (v2sf)  }
0x59: {  	[tilespmem:s9+$0x10000] =	vst.msk vm6, v3;
	vm5 =	vmmov vm8;
	vm1 =	vmand vm4, vm1;
	v16 =	vld [tilespmem:s8+$0xFFFFFFD0];
	vm4 =	vmmov vm9;
	s25 =	spop (v2sf)  }
0x5a: {  	v5 =	vmovc v7;
	[tilespmem:s17+$0x10000] =	vst.msk vm1, v13;
	v13 =	vshra.s32 v19, $0x1F;
	v7 =	vshra.s32 v15, $0x1F;
	s26 =	spop (v2sf);
	vm6 =	vnez.u8 v11  }
0x5b: {  	v3 =	vmovc v12;
	v12 =	vld [tilespmem:s8+$0x0];
	v13 =	vand.u32 $0x7FFFFFFF, v13;
	s0 =	sadd.s32 s17, s25;
	v11 =	vimm.s32 $0x0;
	s28 =	spop (v2sf);
	vm10 =	vmmov vm6  }
0x5c: {  	[tilespmem:s1+$0x10000] =	vst.msk vm0, v2;
	v7 =	vand.u32 $0x7FFFFFFF, v7;
	vm6 =	vmmov vm7;
	s1 =	sadd.s32 s0, s28;
	v11 =	vsel vm10, $0xFFFFFFFF, v11  }
0x5d: {  	v7 =	vxor.u32 v15, v7;
	v15 =	vshra.s32 v14, $0x1F;
	s9 =	sadd.s32 s1, s4;
	[tilespmem:$0x1FFE0] =	vst v11;
	v11 =	vshra.s32 v17, $0x1F  }
0x5e: {  	v2 =	vmovc v6;
	v15 =	vand.u32 $0x7FFFFFFF, v15;
	v21 =	vshra.s32 v16, $0x1F;
	s4 =	sadd.s32 s9, s5;
	v6 =	vand.u32 $0x7FFFFFFF, v11  }
0x5f: {  	vm11 =	vgt.s32 v7, $0x3FFFFFFF;
	v11 =	vshra.s32 v18, $0x1F;
	p2 =	slt.s32 s4, $0x7D00;
	v6 =	vxor.u32 v17, v6  }
0x60: {  	v20 =	vld [tilespmem:s8+$0x10];
	s14 =	sadd.s32 s4, s26;
	v11 =	vand.u32 $0x7FFFFFFF, v11;
	v17 =	vshra.s32 v12, $0x1F;
	vm4 =	vmneg @p2 vm4  }
0x61: {  	p2 =	slt.s32 s14, $0x7D00;
	vm0 =	vgt.s32 v6, $0x3FFFFFFF;
	v11 =	vxor.u32 v18, v11;
	v18 =	vimm.s32 $0x0  }
0x62: {  	s29 =	spop (v2sf);
	v17 =	vand.u32 $0x7FFFFFFF, v17;
	vm3 =	vmand vm3, vm4;
	vm13 =	vmneg @p2 vm13  }
0x63: {  	s11 =	sadd.s32 s14, s29;
	vm4 =	vmmov vm9;
	v18 =	vsel vm0, $0xFFFFFFFF, v18;
	v17 =	vxor.u32 v12, v17  }
0x64: {  	p2 =	slt.s32 s11, $0x7D00;
	v12 =	vxor.u32 v19, v13;
	v13 =	vxor.u32 v14, v15;
	v14 =	vand.u32 $0x7FFFFFFF, v21  }
0x65: {  	v15 =	vshra.s32 v20, $0x1F;
	vm4 =	vmneg @p2 vm4;
	[tilespmem:$0x1FFF0] =	vst v18;
	v18 =	vmpcnt.ones.xlane vm0  }
0x66: {  	vm10 =	vgt.s32 v17, $0x3FFFFFFF;
	vm7 =	vgt.s32 v12, $0x3FFFFFFF;
	vm1 =	vgt.s32 v13, $0x3FFFFFFF  }
0x67: {  	s3 =	sadd.s32 $0x8, s3;
	v14 =	vxor.u32 v16, v14;
	v15 =	vand.u32 $0x7FFFFFFF, v15;
	v19 =	vmpcnt.ones.xlane vm7  }
0x68: {  	p0 =	slt.u32 s3, $0x7F8;
	s30 =	spop (v2sf);
	v63 =	vmpcnt.ones.xlane vm1;
	vm8 =	vgt.s32 v14, $0x3FFFFFFF;
	(v2sf) =	vpush v18, $0x0  }
.Ltmp2:
0x69: {  	v16 =	vmpcnt.ones.xlane vm10;
	v15 =	vxor.u32 v20, v15;
	(v2sf) =	vpush v19, $0x0;
	(pc) =	sbr.rel @p0 .LBB2_2-.Ltmp2, $4  }
0x6a: {  	s23 =	sadd.s32 s11, s30;
	v22 =	vmpcnt.ones.xlane vm8;
	vm12 =	vgt.s32 v15, $0x3FFFFFFF;
	(v2sf) =	vpush v63, $0x0  }
0x6b: {  	[tilespmem:s4+$0x10000] =	vst.msk vm3, v10;
	p2 =	slt.s32 s23, $0x7D00;
	vm3 =	vmmov vm9;
	s31 =	spop (v2sf);
	v18 =	vmpcnt.ones.xlane vm12;
	(v2sf) =	vpush v16, $0x0  }
0x6c: {  	s8 =	sadd.s32 $0x80, s8;
	vm0 =	vgt.s32 v11, $0x3FFFFFFF;
	vm3 =	vmneg @p2 vm3;
	(v2sf) =	vpush v22, $0x0  }
0x6d: {  	p1 =	slt.s32 s9, $0x7D00;
	v10 =	vmovc v17;
	p2 =	slt.s32 s1, $0x7D00;
	vm14 =	vmand vm15, vm4;
	s17 =	sadd.s32 s23, s31;
	v16 =	vmpcnt.ones.xlane vm11;
	(v2sf) =	vpush v18, $0x0  }
0x6e: {  	vm0 =	vmmov vm0  }
0x6f: {  	(v2sf) =	vpush v16, $0x0;
	v16 =	vmpcnt.ones.xlane vm0;
	_ =	sdelay $0x1  }
0x70: {  	(v2sf) =	vpush v16, $0x0;
	v16 =	vld [tilespmem:$0x1FFD0];
	_ =	sdelay $0x4  }
0x71: {  	vm4 =	vnez.u8 v16  }
0x72: {  	vm2 =	vmand vm2, vm3;
	vm4 =	vmand vm4, vm13;
	vm13 =	vmmov vm9  }
0x73: {  	[tilespmem:s23+$0x10000] =	vst.msk vm2, v8;
	vm13 =	vmneg @p1 vm13  }
0x74: {  	s18 =	spop (v2sf);
	[tilespmem:s14+$0x10000] =	vst.msk vm4, v9;
	vm6 =	vmand vm6, vm13  }
0x75: {  	s19 =	spop (v2sf);
	[tilespmem:s9+$0x10000] =	vst.msk vm6, v3  }
0x76: {  	s21 =	spop (v2sf);
	v3 =	vld [tilespmem:$0x1FFE0]  }
0x77: {  	s20 =	spop (v2sf)  }
0x78: {  	s3 =	sadd.s32 s17, s21;
	s22 =	spop (v2sf)  }
0x79: {  	p0 =	slt.s32 s0, $0x7D00;
	vm3 =	vmmov vm9;
	s4 =	sadd.s32 s3, s22  }
0x7a: {  	vm3 =	vmneg @p0 vm3;
	vm4 =	vmmov vm9;
	s5 =	sadd.s32 s4, s18  }
0x7b: {  	vm2 =	vmand vm5, vm3;
	vm4 =	vmneg @p2 vm4;
	s8 =	sadd.s32 s5, s19;
	vm3 =	vnez.u8 v3  }
0x7c: {  	p0 =	slt.s32 s17, $0x7D00;
	vm5 =	vmmov vm9;
	[tilespmem:s0+$0x10000] =	vst.msk vm2, v4;
	s23 =	spop (v2sf);
	s31 =	sadd.s32 s8, s20;
	vm3 =	vmand vm3, vm4;
	vm4 =	vmmov vm9  }
0x7d: {  	vm6 =	vmmov vm12;
	vm2 =	vmmov vm9;
	[tilespmem:s11+$0x10000] =	vst.msk vm14, v5;
	s24 =	spop (v2sf);
	s0 =	sadd.s32 s31, s23;
	vm4 =	vmneg @p0 vm4;
	p0 =	slt.s32 s8, $0x7D00  }
0x7e: {  	s2 =	sadd.s32 s0, s24;
	[tilespmem:s1+$0x10000] =	vst.msk vm3, v2;
	vm3 =	vmmov vm10;
	vm4 =	vmand vm4, vm1;
	vm2 =	vmneg @p0 vm2;
	p0 =	slt.s32 s31, $0x7D00  }
0x7f: {  	[tilespmem:s17+$0x10000] =	vst.msk vm4, v13;
	vm2 =	vmand vm3, vm2;
	vm5 =	vmneg @p0 vm5;
	p0 =	slt.s32 s2, $0x7D00;
	vm3 =	vmmov vm9  }
0x80: {  	[tilespmem:s8+$0x10000] =	vst.msk vm2, v10;
	vm3 =	vmneg @p0 vm3;
	vm2 =	vmand vm6, vm5  }
0x81: {  	vm0 =	vmand vm0, vm3;
	[tilespmem:s31+$0x10000] =	vst.msk vm2, v15  }
0x82: {  	[tilespmem:s2+$0x10000] =	vst.msk vm0, v11  }
0x83: {  	v2 =	vld [tilespmem:$0x1FFF0]  }
0x84: {  	vm1 =	vmmov vm9  }
0x85: {  	p1 =	slt.s32 s5, $0x7D00;
	vm4 =	vmmov vm9;
	vm5 =	vmmov vm7;
	p0 =	slt.s32 s3, $0x7D00;
	vm2 =	vmmov vm9  }
0x86: {  	vm4 =	vmneg @p1 vm4;
	vm3 =	vmmov vm8;
	vm2 =	vmneg @p0 vm2  }
0x87: {  	vm6 =	vmmov vm9;
	vm4 =	vmand vm5, vm4;
	p0 =	slt.s32 s0, $0x7D00;
	vm2 =	vmand vm3, vm2  }
0x88: {  	p1 =	slt.s32 s4, $0x7D00;
	[tilespmem:s5+$0x10000] =	vst.msk vm4, v12;
	vm3 =	vmmov vm11;
	vm1 =	vmneg @p0 vm1;
	vm0 =	vnez.u8 v2  }
0x89: {  	vm6 =	vmneg @p1 vm6;
	[tilespmem:s3+$0x10000] =	vst.msk vm2, v14;
	vm1 =	vmand vm3, vm1;
	vm0 =	vmmov vm0  }
0x8a: {  	[tilespmem:s0+$0x10000] =	vst.msk vm1, v7;
	vm0 =	vmand vm0, vm6  }
0x8b: {  	s26 =	spop (v2sf);
	[tilespmem:s4+$0x10000] =	vst.msk vm0, v6  }
0x8c: {  	_ =	swait.ge [sflag:s12], $0x8000  }
0x8d: {  	[sflag:s12] =	ssyncset.done $0x0  }
0x8e: {  	s6 =	simm.s32 $0x8040;
	[sflag:s12] =	ssyncadd.s32 $0xFFFF8000  }
0x8f: {  	v2 =	vld [tilespmem:s6+$0xFFFFFFE0]  }
0x90: {  	v5 =	vld [tilespmem:s6+$0x30]  }
0x91: {  	v3 =	vld [tilespmem:s6+$0xFFFFFFF0]  }
0x92: {  	v4 =	vld [tilespmem:s6+$0x0]  }
0x93: {  	v7 =	vld [tilespmem:s6+$0xFFFFFFC0];
	_ =	sdelay $0x1  }
0x94: {  	v6 =	vld [tilespmem:s6+$0x20]  }
0x95: {  	v20 =	vimm.s32 $0x0;
	v9 =	vld [tilespmem:s6+$0xFFFFFFD0];
	v8 =	vshra.s32 v2, $0x1F  }
0x96: {  	v10 =	vshra.s32 v5, $0x1F;
	v11 =	vshra.s32 v3, $0x1F;
	v12 =	vshra.s32 v4, $0x1F  }
0x97: {  	v13 =	vshra.s32 v7, $0x1F;
	v8 =	vand.u32 $0x7FFFFFFF, v8;
	v12 =	vand.u32 $0x7FFFFFFF, v12  }
0x98: {  	v13 =	vand.u32 $0x7FFFFFFF, v13;
	v11 =	vand.u32 $0x7FFFFFFF, v11;
	v10 =	vand.u32 $0x7FFFFFFF, v10  }
0x99: {  	v2 =	vxor.u32 v2, v8;
	v8 =	vshra.s32 v6, $0x1F;
	v16 =	vxor.u32 v4, v12  }
0x9a: {  	v15 =	vld [tilespmem:s6+$0x10];
	v4 =	vshra.s32 v9, $0x1F;
	v3 =	vxor.u32 v3, v11;
	v17 =	vxor.u32 v7, v13  }
0x9b: {  	v13 =	vimm.s32 $0x0;
	vm1 =	vgt.s32 v2, $0x3FFFFFFF;
	vm0 =	vgt.s32 v16, $0x3FFFFFFF  }
0x9c: {  	vm5 =	vgt.s32 v3, $0x3FFFFFFF;
	vm6 =	vgt.s32 v17, $0x3FFFFFFF;
	v14 =	vmpcnt.ones.xlane vm1  }
0x9d: {  	v4 =	vand.u32 $0x7FFFFFFF, v4;
	v7 =	vmpcnt.ones.xlane vm5;
	v11 =	vmpcnt.ones.xlane vm6  }
0x9e: {  	v4 =	vxor.u32 v9, v4;
	v9 =	vmpcnt.ones.xlane vm0;
	(v2sf) =	vpush v14, $0x0  }
0x9f: {  	vm7 =	vgt.s32 v4, $0x3FFFFFFF;
	(v2sf) =	vpush v7, $0x0;
	v7 =	vshra.s32 v15, $0x1F  }
0xa0: {  	v12 =	vmpcnt.ones.xlane vm7;
	(v2sf) =	vpush v11, $0x0;
	v7 =	vand.u32 $0x7FFFFFFF, v7  }
0xa1: {  	v11 =	vand.u32 $0x7FFFFFFF, v8;
	(v2sf) =	vpush v9, $0x0;
	v9 =	vxor.u32 v15, v7  }
0xa2: {  	v8 =	vxor.u32 v5, v10;
	v5 =	vxor.u32 v6, v11;
	vm3 =	vgt.s32 v9, $0x3FFFFFFF  }
0xa3: {  	s7 =	simm.s32 $0x80C0;
	vm1 =	vmmov vm1;
	vm8 =	vgt.s32 v5, $0x3FFFFFFF;
	v6 =	vmpcnt.ones.xlane vm3  }
0xa4: {  	vm2 =	vgt.s32 v8, $0x3FFFFFFF;
	v7 =	vld [tilespmem:s7+$0xFFFFFFE0];
	(v2sf) =	vpush v12, $0x0;
	v10 =	vmpcnt.ones.xlane vm8  }
0xa5: {  	vm2 =	vmmov vm2;
	vm3 =	vmmov vm3;
	(v2sf) =	vpush v6, $0x0  }
0xa6: {  	v11 =	vld [tilespmem:s7+$0x30];
	v13 =	vsel vm3, $0xFFFFFFFF, v13;
	(v2sf) =	vpush v10, $0x0;
	v10 =	vimm.s32 $0x0  }
0xa7: {  	p0 =	por $0x1, $0x1;
	vm4 =	vmmov vm9;
	v12 =	vld [tilespmem:s7+$0x20];
	v6 =	vmpcnt.ones.xlane vm2;
	[tilespmem:$0x1FFA0] =	vst v13;
	v10 =	vsel vm1, $0xFFFFFFFF, v10  }
0xa8: {  	vm13 =	vmmov vm9;
	vm4 =	vmneg @p0 vm4;
	vm0 =	vmmov vm0;
	v13 =	vld [tilespmem:s7+$0xFFFFFFF0];
	[tilespmem:$0x1FFB0] =	vst v10  }
0xa9: {  	vm11 =	vmand vm4, vm6;
	(v2sf) =	vpush v6, $0x0;
	v6 =	vshra.s32 v7, $0x1F;
	v10 =	vld [tilespmem:s7+$0x0]  }
0xaa: {  	vm6 =	vmmov vm5;
	vm5 =	vmmov vm7;
	v6 =	vand.u32 $0x7FFFFFFF, v6;
	v14 =	vld [tilespmem:s7+$0xFFFFFFC0]  }
0xab: {  	vm14 =	vmmov vm8;
	v15 =	vshra.s32 v11, $0x1F;
	v6 =	vxor.u32 v7, v6  }
0xac: {  	vm3 =	vmmov vm9;
	v15 =	vand.u32 $0x7FFFFFFF, v15;
	v18 =	vld [tilespmem:s7+$0xFFFFFFD0];
	vm1 =	vgt.s32 v6, $0x3FFFFFFF  }
0xad: {  	v11 =	vxor.u32 v11, v15;
	v7 =	vshra.s32 v12, $0x1F;
	v20 =	vsel vm1, $0xFFFFFFFF, v20  }
0xae: {  	v7 =	vand.u32 $0x7FFFFFFF, v7;
	v15 =	vshra.s32 v13, $0x1F;
	v61 =	vmpcnt.ones.xlane vm1;
	[tilespmem:$0x1FFC0] =	vst v20  }
0xaf: {  	v7 =	vxor.u32 v12, v7;
	s8 =	spop (v2sf);
	v21 =	vld [tilespmem:s7+$0x10];
	v19 =	vshra.s32 v10, $0x1F;
	v12 =	vshra.s32 v14, $0x1F  }
0xb0: {  	(v2sf) =	vpush v61, $0x0;
	s9 =	spop (v2sf);
	v19 =	vand.u32 $0x7FFFFFFF, v19;
	v22 =	vand.u32 $0x7FFFFFFF, v12  }
0xb1: {  	v12 =	vand.u32 $0x7FFFFFFF, v15;
	s11 =	spop (v2sf);
	v15 =	vshra.s32 v18, $0x1F;
	v10 =	vxor.u32 v10, v19  }
0xb2: {  	v12 =	vxor.u32 v13, v12;
	s14 =	spop (v2sf);
	v13 =	vxor.u32 v14, v22;
	v14 =	vand.u32 $0x7FFFFFFF, v15  }
0xb3: {  	s1 =	sadd.s32 $0x0, s11;
	vm10 =	vgt.s32 v10, $0x3FFFFFFF;
	vm7 =	vgt.s32 v12, $0x3FFFFFFF;
	s25 =	spop (v2sf);
	vm1 =	vgt.s32 v13, $0x3FFFFFFF  }
0xb4: {  	v14 =	vxor.u32 v18, v14;
	v19 =	vmpcnt.ones.xlane vm7;
	s3 =	sadd.s32 s1, s25;
	v15 =	vshra.s32 v21, $0x1F  }
0xb5: {  	v18 =	vmpcnt.ones.xlane vm1;
	vm8 =	vgt.s32 v14, $0x3FFFFFFF;
	s11 =	sadd.s32 s3, s8;
	v15 =	vand.u32 $0x7FFFFFFF, v15  }
0xb6: {  	v62 =	vmpcnt.ones.xlane vm10;
	s25 =	simm.s32 $0x0;
	v63 =	vmpcnt.ones.xlane vm8;
	s5 =	sadd.s32 s11, s9;
	v15 =	vxor.u32 v21, v15  }
0xb7: {  	[tilespmem:s25+$0x17D80] =	vst.msk vm11, v17;
	vm11 =	vgt.s32 v7, $0x3FFFFFFF;
	s29 =	spop (v2sf);
	(v2sf) =	vpush v19, $0x0;
	p0 =	slt.s32 s5, $0x7D00;
	s14 =	sadd.s32 s5, s14;
	vm12 =	vgt.s32 v15, $0x3FFFFFFF  }
0xb8: {  	(v2sf) =	vpush v18, $0x0;
	vm3 =	vmneg @p0 vm3;
	p0 =	slt.s32 s14, $0x7D00;
	s9 =	sadd.s32 s14, s29;
	v18 =	vmpcnt.ones.xlane vm12  }
0xb9: {  	s30 =	spop (v2sf);
	vm15 =	vmand vm0, vm3;
	vm13 =	vmneg @p0 vm13;
	p0 =	slt.s32 s9, $0x7D00;
	vm3 =	vmmov vm9  }
0xba: {  	s28 =	simm.s32 $0x8140;
	s0 =	simm.s32 $0x8;
	(v2sf) =	vpush v62, $0x0;
	s4 =	sadd.s32 s9, s30;
	vm0 =	vgt.s32 v11, $0x3FFFFFFF;
	vm3 =	vmneg @p0 vm3  }
0xbb: {  	s8 =	sadd.s32 s2, s26;
	s31 =	spop (v2sf);
	(v2sf) =	vpush v63, $0x0;
	p0 =	slt.s32 s4, $0x7D00;
	vm14 =	vmand vm14, vm3;
	vm3 =	vmmov vm9  }
0xbc: {  	p2 =	slt.s32 s3, $0x7D00;
	p1 =	slt.s32 s11, $0x7D00;
	[tilespmem:s5+$0x17D80] =	vst.msk vm15, v16;
	s25 =	sadd.s32 s4, s31;
	v16 =	vmpcnt.ones.xlane vm11;
	(v2sf) =	vpush v18, $0x0;
	vm3 =	vmneg @p0 vm3  }
.LBB2_4:
0xbd: {  	v18 =	vld [tilespmem:$0x1FFA0];
	_ =	sdelay $0x4  }
0xbe: {  	(v2sf) =	vpush v16, $0x0;
	v16 =	vld [tilespmem:$0x1FFB0];
	vm4 =	vnez.u8 v18  }
0xbf: {  	vm15 =	vmmov vm9;
	v18 =	vimm.s32 $0x0;
	vm13 =	vmand vm4, vm13  }
0xc0: {  	v19 =	vld [tilespmem:s28+$0xFFFFFFF0];
	vm4 =	vmand vm2, vm3;
	vm2 =	vmmov vm0;
	vm0 =	vmmov vm12  }
0xc1: {  	vm15 =	vmneg @p2 vm15;
	v18 =	vsel vm0, $0xFFFFFFFF, v18;
	[tilespmem:s14+$0x17D80] =	vst.msk vm13, v9;
	v9 =	vmov v15;
	v15 =	vld [tilespmem:s28+$0x20]  }
0xc2: {  	vm3 =	vmmov vm10;
	vm10 =	vmmov vm9;
	vm12 =	vmmov vm9;
	[tilespmem:$0x1FFA0] =	vst v18;
	v18 =	vld [tilespmem:s28+$0x30]  }
0xc3: {  	p2 =	slt.s32 s1, $0x7D00;
	vm0 =	vnez.u8 v16;
	vm10 =	vmneg @p1 vm10;
	v16 =	vmpcnt.ones.xlane vm2;
	[tilespmem:s4+$0x17D80] =	vst.msk vm4, v8;
	v8 =	vmovc v11;
	v11 =	vld [tilespmem:$0x1FFC0]  }
0xc4: {  	vm12 =	vmneg @p2 vm12;
	vm13 =	vmmov vm9;
	vm0 =	vmand vm0, vm15  }
0xc5: {  	v17 =	vld [tilespmem:s28+$0xFFFFFFE0];
	p1 =	slt.s32 s25, $0x7D00;
	[tilespmem:s9+$0x17D80] =	vst.msk vm14, v5;
	vm6 =	vmand vm6, vm10;
	vm4 =	vmmov vm9;
	vm5 =	vmand vm5, vm12;
	s9 =	spop (v2sf)  }
0xc6: {  	vm15 =	vmmov vm11;
	vm4 =	vmneg @p1 vm4;
	(v2sf) =	vpush v16, $0x0;
	[tilespmem:s1+$0x17D80] =	vst.msk vm5, v4;
	v4 =	vmovc v14;
	v14 =	vld [tilespmem:s28+$0xFFFFFFC0];
	s5 =	spop (v2sf)  }
0xc7: {  	[tilespmem:s11+$0x17D80] =	vst.msk vm6, v3;
	vm5 =	vmmov vm8;
	vm1 =	vmand vm4, vm1;
	v16 =	vld [tilespmem:s28+$0xFFFFFFD0];
	vm4 =	vmmov vm9;
	s11 =	spop (v2sf)  }
0xc8: {  	v5 =	vmovc v7;
	[tilespmem:s25+$0x17D80] =	vst.msk vm1, v13;
	v13 =	vshra.s32 v19, $0x1F;
	v7 =	vshra.s32 v15, $0x1F;
	s14 =	spop (v2sf);
	vm6 =	vnez.u8 v11  }
0xc9: {  	v3 =	vmovc v12;
	v12 =	vld [tilespmem:s28+$0x0];
	v13 =	vand.u32 $0x7FFFFFFF, v13;
	s1 =	sadd.s32 s25, s11;
	v11 =	vimm.s32 $0x0;
	s25 =	spop (v2sf);
	vm10 =	vmmov vm6  }
0xca: {  	[tilespmem:s3+$0x17D80] =	vst.msk vm0, v2;
	v7 =	vand.u32 $0x7FFFFFFF, v7;
	vm6 =	vmmov vm7;
	s3 =	sadd.s32 s1, s25;
	v11 =	vsel vm10, $0xFFFFFFFF, v11  }
0xcb: {  	v7 =	vxor.u32 v15, v7;
	v15 =	vshra.s32 v14, $0x1F;
	s11 =	sadd.s32 s3, s9;
	[tilespmem:$0x1FFB0] =	vst v11;
	v11 =	vshra.s32 v17, $0x1F  }
0xcc: {  	v2 =	vmovc v6;
	v15 =	vand.u32 $0x7FFFFFFF, v15;
	v21 =	vshra.s32 v16, $0x1F;
	s5 =	sadd.s32 s11, s5;
	v6 =	vand.u32 $0x7FFFFFFF, v11  }
0xcd: {  	vm11 =	vgt.s32 v7, $0x3FFFFFFF;
	v11 =	vshra.s32 v18, $0x1F;
	p2 =	slt.s32 s5, $0x7D00;
	v6 =	vxor.u32 v17, v6  }
0xce: {  	v20 =	vld [tilespmem:s28+$0x10];
	s14 =	sadd.s32 s5, s14;
	v11 =	vand.u32 $0x7FFFFFFF, v11;
	v17 =	vshra.s32 v12, $0x1F;
	vm4 =	vmneg @p2 vm4  }
0xcf: {  	p2 =	slt.s32 s14, $0x7D00;
	vm0 =	vgt.s32 v6, $0x3FFFFFFF;
	v11 =	vxor.u32 v18, v11;
	v18 =	vimm.s32 $0x0  }
0xd0: {  	s29 =	spop (v2sf);
	v17 =	vand.u32 $0x7FFFFFFF, v17;
	vm3 =	vmand vm3, vm4;
	vm13 =	vmneg @p2 vm13  }
0xd1: {  	s9 =	sadd.s32 s14, s29;
	vm4 =	vmmov vm9;
	v18 =	vsel vm0, $0xFFFFFFFF, v18;
	v17 =	vxor.u32 v12, v17  }
0xd2: {  	p2 =	slt.s32 s9, $0x7D00;
	v12 =	vxor.u32 v19, v13;
	v13 =	vxor.u32 v14, v15;
	v14 =	vand.u32 $0x7FFFFFFF, v21  }
0xd3: {  	v15 =	vshra.s32 v20, $0x1F;
	vm4 =	vmneg @p2 vm4;
	[tilespmem:$0x1FFC0] =	vst v18;
	v18 =	vmpcnt.ones.xlane vm0  }
0xd4: {  	vm10 =	vgt.s32 v17, $0x3FFFFFFF;
	vm7 =	vgt.s32 v12, $0x3FFFFFFF;
	vm1 =	vgt.s32 v13, $0x3FFFFFFF  }
0xd5: {  	s0 =	sadd.s32 $0x8, s0;
	v14 =	vxor.u32 v16, v14;
	v15 =	vand.u32 $0x7FFFFFFF, v15;
	v19 =	vmpcnt.ones.xlane vm7  }
0xd6: {  	p0 =	slt.u32 s0, $0x7F8;
	s30 =	spop (v2sf);
	v63 =	vmpcnt.ones.xlane vm1;
	vm8 =	vgt.s32 v14, $0x3FFFFFFF;
	(v2sf) =	vpush v18, $0x0  }
.Ltmp3:
0xd7: {  	v16 =	vmpcnt.ones.xlane vm10;
	v15 =	vxor.u32 v20, v15;
	(v2sf) =	vpush v19, $0x0;
	(pc) =	sbr.rel @p0 .LBB2_4-.Ltmp3, $4  }
0xd8: {  	s4 =	sadd.s32 s9, s30;
	v22 =	vmpcnt.ones.xlane vm8;
	vm12 =	vgt.s32 v15, $0x3FFFFFFF;
	(v2sf) =	vpush v63, $0x0  }
0xd9: {  	[tilespmem:s5+$0x17D80] =	vst.msk vm3, v10;
	p2 =	slt.s32 s4, $0x7D00;
	vm3 =	vmmov vm9;
	s31 =	spop (v2sf);
	v18 =	vmpcnt.ones.xlane vm12;
	(v2sf) =	vpush v16, $0x0  }
0xda: {  	s28 =	sadd.s32 $0x80, s28;
	vm0 =	vgt.s32 v11, $0x3FFFFFFF;
	vm3 =	vmneg @p2 vm3;
	(v2sf) =	vpush v22, $0x0  }
0xdb: {  	p1 =	slt.s32 s11, $0x7D00;
	v10 =	vmovc v17;
	p2 =	slt.s32 s3, $0x7D00;
	vm14 =	vmand vm15, vm4;
	s25 =	sadd.s32 s4, s31;
	v16 =	vmpcnt.ones.xlane vm11;
	(v2sf) =	vpush v18, $0x0  }
0xdc: {  	_ = 	snop  }
0xdd: {  	v63 =	vld [tilespmem:$0x1FFA0];
	_ =	sdelay $0x1  }
0xde: {  	(v2sf) =	vpush v16, $0x0;
	_ =	sdelay $0x2  }
0xdf: {  	vm4 =	vnez.u8 v63  }
0xe0: {  	vm2 =	vmand vm2, vm3;
	vm4 =	vmand vm4, vm13;
	vm13 =	vmmov vm9  }
0xe1: {  	[tilespmem:s4+$0x17D80] =	vst.msk vm2, v8;
	vm13 =	vmneg @p1 vm13  }
0xe2: {  	[tilespmem:s14+$0x17D80] =	vst.msk vm4, v9;
	vm4 =	vmand vm6, vm13;
	s28 =	spop (v2sf)  }
0xe3: {  	[tilespmem:s11+$0x17D80] =	vst.msk vm4, v3;
	s29 =	spop (v2sf)  }
0xe4: {  	v3 =	vld [tilespmem:$0x1FFB0];
	s31 =	spop (v2sf)  }
0xe5: {  	s30 =	spop (v2sf)  }
0xe6: {  	p0 =	slt.s32 s1, $0x7D00;
	vm3 =	vmmov vm9;
	s5 =	sadd.s32 s25, s31;
	s0 =	spop (v2sf)  }
0xe7: {  	vm0 =	vmmov vm0;
	vm3 =	vmneg @p0 vm3;
	s14 =	sadd.s32 s5, s0  }
0xe8: {  	v62 =	vmpcnt.ones.xlane vm0;
	vm2 =	vmmov vm9;
	vm3 =	vmand vm5, vm3;
	s4 =	sadd.s32 s14, s28  }
0xe9: {  	p0 =	slt.s32 s25, $0x7D00;
	vm2 =	vmneg @p2 vm2;
	[tilespmem:s1+$0x17D80] =	vst.msk vm3, v4;
	vm3 =	vmmov vm9;
	vm4 =	vnez.u8 v3;
	s6 =	sadd.s32 s4, s29  }
0xea: {  	(v2sf) =	vpush v62, $0x0;
	[tilespmem:s9+$0x17D80] =	vst.msk vm14, v5;
	vm3 =	vmneg @p0 vm3;
	s1 =	spop (v2sf);
	vm2 =	vmand vm4, vm2;
	s7 =	sadd.s32 s6, s30  }
0xeb: {  	vm5 =	vmmov vm9;
	vm3 =	vmand vm3, vm1;
	s11 =	spop (v2sf);
	[tilespmem:s3+$0x17D80] =	vst.msk vm2, v2;
	p0 =	slt.s32 s6, $0x7D00;
	vm2 =	vmmov vm9;
	s2 =	sadd.s32 s7, s1  }
0xec: {  	[tilespmem:s25+$0x17D80] =	vst.msk vm3, v13;
	vm3 =	vmmov vm12;
	vm4 =	vmmov vm10;
	vm2 =	vmneg @p0 vm2;
	p0 =	slt.s32 s7, $0x7D00;
	s9 =	sadd.s32 s2, s11  }
0xed: {  	vm2 =	vmand vm4, vm2;
	vm5 =	vmneg @p0 vm5;
	vm4 =	vmmov vm9;
	p0 =	slt.s32 s9, $0x7D00  }
0xee: {  	[tilespmem:s6+$0x17D80] =	vst.msk vm2, v10;
	vm13 =	vmand vm3, vm5;
	vm4 =	vmneg @p0 vm4  }
0xef: {  	[tilespmem:s7+$0x17D80] =	vst.msk vm13, v15;
	vm0 =	vmand vm0, vm4  }
0xf0: {  	[tilespmem:s9+$0x17D80] =	vst.msk vm0, v11  }
0xf1: {  	p1 =	slt.s32 s4, $0x7D00;
	vm3 =	vmmov vm9;
	v2 =	vld [tilespmem:$0x1FFC0]  }
0xf2: {  	vm3 =	vmneg @p1 vm3;
	vm4 =	vmmov vm7  }
0xf3: {  	vm2 =	vmmov vm9;
	p0 =	slt.s32 s5, $0x7D00;
	vm3 =	vmand vm4, vm3  }
0xf4: {  	s7 =	sadd.s32 $0xFFFFFEB8, s8;
	vm2 =	vmneg @p0 vm2;
	p0 =	slt.s32 s2, $0x7D00;
	[tilespmem:s4+$0x17D80] =	vst.msk vm3, v12;
	vm3 =	vmmov vm9  }
0xf5: {  	vm3 =	vmneg @p0 vm3;
	p0 =	sgt.u32 s7, $0x7BB8  }
.Ltmp4:
0xf6: {  	p1 =	slt.s32 s14, $0x7D00;
	vm4 =	vmmov vm8;
	vm0 =	vmmov vm9;
	vm14 =	vnez.u8 v2;
	(pc) =	sbr.rel @p0 .LBB2_6-.Ltmp4, $4  }
0xf7: {  	vm2 =	vmand vm4, vm2;
	vm0 =	vmneg @p1 vm0;
	vm1 =	vmmov vm14  }
0xf8: {  	vm15 =	vmmov vm11;
	[tilespmem:s5+$0x17D80] =	vst.msk vm2, v14;
	vm0 =	vmand vm1, vm0  }
0xf9: {  	s3 =	spop (v2sf);
	vm1 =	vmand vm15, vm3;
	[tilespmem:s14+$0x17D80] =	vst.msk vm0, v6  }
0xfa: {  	vm4 =	vmmov vm9;
	s9 =	sadd.s32 s9, s3;
	[tilespmem:s2+$0x17D80] =	vst.msk vm1, v7  }
0xfb: {  	s2 =	sadd.s32 s22, s21  }
0xfc: {  	s2 =	sadd.s32 s18, s2  }
0xfd: {  	s2 =	sadd.s32 s19, s2  }
0xfe: {  	s2 =	sadd.s32 s20, s2  }
0xff: {  	s2 =	sadd.s32 s23, s2  }
0x100: {  	s2 =	sadd.s32 s24, s2  }
.Ltmp5:
0x101: {  	s2 =	sadd.s32 s26, s2;
	(pc) =	sbr.rel .LBB2_11-.Ltmp5, $4  }
0x102: {  	s4 =	sadd.s32 $0xF, s8;
	s2 =	sadd.s32 s17, s2  }
0x103: {  	[tilespmem:s8+$0x10000] =	vst v0;
	s8 =	simm.s32 $0x40000000;
	s17 =	sshrl.u32 s4, $0x4;
	s2 =	sadd.s32 $0xF, s2  }
0x104: {  	s6 =	simm.s32 $0x1FB00;
	s18 =	sand.u32 $0xFFC, s17;
	s2 =	sand.u32 $0xFFC0, s2  }
0x105: {  	s20 =	simm.s32 $0x0;
	p0 =	seq.s32 s18, s17;
	s19 =	sor.u32 $0x10000, s2  }
.LBB2_17:
0x106: {  	(xrf0) =	vadd.scan.msk.s32 $0xffff, v3;
	_ =	sdelay $0x5  }
0x107: {  	v2, _, _ =	vpop (xrf0)  }
0x108: {  	(v2sf) =	vpush v2, $0xF;
	_ =	sdelay $0xa  }
0x109: {  	s20 =	sadd.s32 $0x1, s20  }
0x10a: {  	p2 =	seq.s32 s20, $0x1E  }
.Ltmp6:
0x10b: {  	_ = 	snop;
	(pc) =	sbr.rel @p2 .LBB2_18-.Ltmp6, $4  }
0x10c: {  	_ = 	snop  }
0x10d: {  	s2 =	spop (v2sf)  }
0x10e: {  	p1 =	sgt.s32 s2, $0x147  }
0x10f: {  	s8 =	smov.u32 @p1 s14  }
.LBB2_11:
0x110: {  	p2 =	sgt.u32 s18, $0x4  }
.Ltmp7:
0x111: {  	s4 =	simm.s32 $0x10020;
	(pc) =	sbr.rel @!p2 .LBB2_12-.Ltmp7, $4  }
0x112: {  	v7 =	vld [tilespmem:s4+$0xFFFFFFE0]  }
0x113: {  	s2 =	sshrl.u32 s13, s20;
	v6 =	vld [tilespmem:s4+$0xFFFFFFF0]  }
0x114: {  	s14 =	sadd.s32 s2, s8;
	v5 =	vld [tilespmem:s4+$0x0]  }
0x115: {  	v3 =	vimm.s32 $0x0;
	p1 =	por $0x0, $0x0;
	v4 =	vld [tilespmem:s4+$0x10];
	v2 =	vmov s14  }
0x116: {  	p2 =	sgt.u32 s18, $0x8  }
.Ltmp8:
0x117: {  	s4 =	simm.s32 $0x10060;
	vm0 =	vge.s32 v7, v2;
	(pc) =	sbr.rel @!p2 .LBB2_15-.Ltmp8, $4  }
0x118: {  	v7 =	vld [tilespmem:s4+$0xFFFFFFE0];
	v8 =	vsel vm0, $0x1, v1;
	vm13 =	vge.s32 v6, v2  }
0x119: {  	v6 =	vld [tilespmem:s4+$0xFFFFFFF0];
	v8 =	vadd.s32 v8, v3;
	v9 =	vsel vm13, $0x1, v1;
	vm14 =	vge.s32 v5, v2  }
0x11a: {  	v5 =	vld [tilespmem:s4+$0x0];
	v8 =	vadd.s32 v9, v8;
	v9 =	vsel vm14, $0x1, v1;
	vm15 =	vge.s32 v4, v2  }
0x11b: {  	s5 =	simm.s32 $0x8;
	p1 =	por $0x1, $0x1;
	v4 =	vld [tilespmem:s4+$0x10];
	v8 =	vadd.s32 v9, v8;
	v9 =	vsel vm15, $0x1, v1  }
.LBB2_14:
0x11c: {  	s5 =	sadd.s32 $0x4, s5  }
0x11d: {  	v8 =	vadd.s32 v9, v8;
	p2 =	slt.u32 s5, s18  }
.Ltmp9:
0x11e: {  	s4 =	sadd.s32 $0x40, s4;
	vm0 =	vge.s32 v7, v2;
	(pc) =	sbr.rel @p2 .LBB2_14-.Ltmp9, $4  }
0x11f: {  	v7 =	vld [tilespmem:s4+$0xFFFFFFE0];
	v9 =	vsel vm0, $0x1, v1;
	vm0 =	vge.s32 v6, v2  }
0x120: {  	v6 =	vld [tilespmem:s4+$0xFFFFFFF0];
	v8 =	vadd.s32 v9, v8;
	v9 =	vsel vm0, $0x1, v1;
	vm0 =	vge.s32 v5, v2  }
0x121: {  	v5 =	vld [tilespmem:s4+$0x0];
	v8 =	vadd.s32 v9, v8;
	v9 =	vsel vm0, $0x1, v1;
	vm0 =	vge.s32 v4, v2  }
0x122: {  	v4 =	vld [tilespmem:s4+$0x10];
	v8 =	vadd.s32 v9, v8;
	v9 =	vsel vm0, $0x1, v1  }
.LBB2_15:
0x123: {  	_ = 	snop  }
0x124: {  	v8 =	vadd.s32 @p1 v9, v8;
	vm0 =	vge.s32 v7, v2  }
.Ltmp10:
0x125: {  	v3 =	vpsel p1, v8, v3;
	v7 =	vsel vm0, $0x1, v1;
	vm13 =	vge.s32 v6, v2;
	(pc) =	sbr.rel @p0 .LBB2_17-.Ltmp10, $4  }
0x126: {  	v3 =	vadd.s32 v7, v3;
	v6 =	vsel vm13, $0x1, v1;
	vm14 =	vge.s32 v5, v2  }
0x127: {  	v3 =	vadd.s32 v6, v3;
	v5 =	vsel vm14, $0x1, v1;
	vm15 =	vge.s32 v4, v2  }
0x128: {  	v3 =	vadd.s32 v5, v3;
	v4 =	vsel vm15, $0x1, v1  }
0x129: {  	s4 =	smov.u32 s19;
	s5 =	smov.u32 s18;
	v3 =	vadd.s32 v4, v3  }
.LBB2_16:
0x12a: {  	v4 =	vld [tilespmem:s4+$0x0]  }
0x12b: {  	s5 =	sadd.s32 $0x1, s5  }
0x12c: {  	p1 =	slt.u32 s5, s17  }
.Ltmp11:
0x12d: {  	_ = 	snop;
	(pc) =	sbr.rel @p1 .LBB2_16-.Ltmp11, $4  }
0x12e: {  	_ = 	snop  }
0x12f: {  	vm0 =	vge.s32 v4, v2  }
0x130: {  	v4 =	vsel vm0, $0x1, v1  }
0x131: {  	s4 =	sadd.s32 $0x10, s4;
	v3 =	vadd.s32 v4, v3  }
.Ltmp12:
0x132: {  	_ = 	snop;
	(pc) =	sbr.rel .LBB2_17-.Ltmp12, $1  }
0x133: {  	_ =	sdelay $0x3  }
.LBB2_12:
.Ltmp13:
0x134: {  	(pc) =	sbr.rel .LBB2_15-.Ltmp13, $2  }
0x135: {  	_ =	sdelay $0x2  }
0x136: {  	_ = 	snop  }
.LBB2_6:
0x137: {  	s14 =	simm.s32 $0x0;
	s8 =	simm.s32 $0x80000000;
	s6 =	simm.s32 $0x1FB00  }
.LBB2_7:
0x138: {  	s2 =	simm.s32 $0x20  }
0x139: {  	v6 =	vld [tilespmem:s2+$0x10]  }
0x13a: {  	v4 =	vld [tilespmem:s2+$0x0]  }
0x13b: {  	v3 =	vld [tilespmem:s2+$0xFFFFFFE0]  }
0x13c: {  	v5 =	vld [tilespmem:s2+$0xFFFFFFF0]  }
0x13d: {  	s4 =	sshrl.u32 s15, s14  }
0x13e: {  	s4 =	sadd.s32 s4, s8  }
0x13f: {  	v7 =	vimm.s32 $0x0;
	v2 =	vmov s4  }
0x140: {  	s5 =	simm.s32 $0x0;
	s17 =	simm.s32 $0x60;
	v8 =	vshra.s32 v6, $0x1F;
	v10 =	vshra.s32 v3, $0x1F;
	v9 =	vshra.s32 v4, $0x1F  }
.LBB2_8:
0x141: {  	v11 =	vld [tilespmem:s17+$0x10];
	v10 =	vand.u32 $0x7FFFFFFF, v10;
	v12 =	vshra.s32 v5, $0x1F;
	v8 =	vand.u32 $0x7FFFFFFF, v8  }
0x142: {  	v9 =	vand.u32 $0x7FFFFFFF, v9;
	s5 =	sadd.s32 $0x4, s5;
	v13 =	vld [tilespmem:s17+$0x0];
	v10 =	vxor.u32 v3, v10;
	v12 =	vand.u32 $0x7FFFFFFF, v12  }
0x143: {  	v6 =	vxor.u32 v6, v8;
	p0 =	slt.u32 s5, $0x7FC;
	v3 =	vld [tilespmem:s17+$0xFFFFFFE0];
	vm0 =	vge.s32 v10, v2;
	v10 =	vxor.u32 v5, v12  }
.Ltmp14:
0x144: {  	v4 =	vxor.u32 v4, v9;
	v5 =	vld [tilespmem:s17+$0xFFFFFFF0];
	v8 =	vsel vm0, $0x1, v1;
	vm0 =	vge.s32 v10, v2;
	(pc) =	sbr.rel @p0 .LBB2_8-.Ltmp14, $4  }
0x145: {  	v7 =	vadd.s32 v8, v7;
	v8 =	vsel vm0, $0x1, v1;
	vm0 =	vge.s32 v4, v2  }
0x146: {  	v9 =	vadd.s32 v8, v7;
	v7 =	vsel vm0, $0x1, v1;
	vm0 =	vge.s32 v6, v2;
	v6 =	vmovc v11  }
0x147: {  	v8 =	vshra.s32 v6, $0x1F;
	v7 =	vadd.s32 v7, v9;
	v11 =	vsel vm0, $0x1, v1;
	v4 =	vmovc v13  }
0x148: {  	s17 =	sadd.s32 $0x40, s17;
	v10 =	vshra.s32 v3, $0x1F;
	v9 =	vshra.s32 v4, $0x1F;
	v7 =	vadd.s32 v11, v7  }
0x149: {  	v10 =	vand.u32 $0x7FFFFFFF, v10;
	v11 =	vshra.s32 v5, $0x1F;
	v8 =	vand.u32 $0x7FFFFFFF, v8  }
0x14a: {  	v9 =	vand.u32 $0x7FFFFFFF, v9;
	v3 =	vxor.u32 v3, v10;
	v58 =	vand.u32 $0x7FFFFFFF, v11  }
0x14b: {  	v59 =	vxor.u32 v6, v8;
	vm0 =	vge.s32 v3, v2;
	v3 =	vxor.u32 v5, v58  }
0x14c: {  	v60 =	vsel vm0, $0x1, v1;
	vm13 =	vge.s32 v3, v2;
	v3 =	vxor.u32 v4, v9  }
0x14d: {  	v61 =	vadd.s32 v60, v7;
	v62 =	vsel vm13, $0x1, v1;
	vm14 =	vge.s32 v3, v2  }
0x14e: {  	vm15 =	vge.s32 v59, v2;
	v3 =	vadd.s32 v62, v61;
	v63 =	vsel vm14, $0x1, v1  }
0x14f: {  	v2 =	vadd.s32 v63, v3;
	v3 =	vsel vm15, $0x1, v1  }
0x150: {  	v2 =	vadd.s32 v3, v2  }
0x151: {  	(xrf0) =	vadd.scan.msk.s32 $0xffff, v2;
	_ =	sdelay $0x5  }
0x152: {  	v2, _, _ =	vpop (xrf0)  }
0x153: {  	(v2sf) =	vpush v2, $0xF;
	_ =	sdelay $0xa  }
0x154: {  	s14 =	sadd.s32 $0x1, s14  }
0x155: {  	p1 =	sne.s32 s14, $0x1F  }
.Ltmp15:
0x156: {  	_ = 	snop;
	(pc) =	sbr.rel @p1 .LBB2_7-.Ltmp15, $4  }
0x157: {  	_ = 	snop  }
0x158: {  	s2 =	spop (v2sf)  }
0x159: {  	p0 =	sgt.s32 s2, $0x147  }
0x15a: {  	s8 =	smov.u32 @p0 s4  }
.LBB2_18:
0x15b: {  	s26 =	sadd.s32 $0xFFFFFEB8, s9  }
0x15c: {  	v2 =	vmov s8;
	p0 =	sgt.u32 s26, $0x7BB8  }
.Ltmp16:
0x15d: {  	s14 =	simm.s32 $0x0;
	s2 =	rddreg [dreg:$0x5];
	[tilespmem:$0x1FB00] =	vst v2;
	(pc) =	sbr.rel @p0 .LBB2_27-.Ltmp16, $4  }
0x15e: {  	[hbm4b:s2+s14] =	stream.linear.scatter [tilespmem:s6], [sflag:$0x2], $0x80, $0x38;
	[tilespmem:$0x1FB80] =	vst v63  }
0x15f: {  	_ =	swait.ge [sflag:s10], $0x80  }
0x160: {  	[sflag:s10] =	ssyncset.done $0x0  }
0x161: {  	s8 =	simm.s32 $0x80000000;
	s17 =	simm.s32 $0x0;
	[sflag:s10] =	ssyncadd.s32 $0xFFFFFF80  }
0x162: {  	s0 =	sadd.s32 s0, s31  }
0x163: {  	s0 =	sadd.s32 s28, s0  }
0x164: {  	s0 =	sadd.s32 s29, s0  }
0x165: {  	s0 =	sadd.s32 s30, s0  }
0x166: {  	s0 =	sadd.s32 s1, s0  }
0x167: {  	s0 =	sadd.s32 s11, s0  }
.Ltmp17:
0x168: {  	s0 =	sadd.s32 s3, s0;
	(pc) =	sbr.rel .LBB2_20-.Ltmp17, $4  }
0x169: {  	s31 =	sadd.s32 $0xF, s9;
	s0 =	sadd.s32 s25, s0  }
0x16a: {  	s2 =	sadd.s32 $0xF, s0;
	s0 =	sshrl.u32 s31, $0x4  }
0x16b: {  	[tilespmem:s9+$0x17D80] =	vst v0;
	s9 =	simm.s32 $0x0;
	s2 =	sand.u32 $0xFFC0, s2;
	s1 =	sand.u32 $0xFFC, s0  }
0x16c: {  	s8 =	simm.s32 $0x40000000;
	s3 =	sadd.s32 $0x17D80, s2;
	p0 =	seq.s32 s1, s0  }
.LBB2_27:
0x16d: {  	s2 =	simm.s32 $0x8020  }
0x16e: {  	v6 =	vld [tilespmem:s2+$0x10]  }
0x16f: {  	v4 =	vld [tilespmem:s2+$0x0]  }
0x170: {  	v3 =	vld [tilespmem:s2+$0xFFFFFFE0]  }
0x171: {  	v5 =	vld [tilespmem:s2+$0xFFFFFFF0]  }
0x172: {  	s0 =	sshrl.u32 s15, s14  }
0x173: {  	s0 =	sadd.s32 s0, s8  }
0x174: {  	v7 =	vimm.s32 $0x0;
	v2 =	vmov s0  }
0x175: {  	s1 =	simm.s32 $0x0;
	s3 =	simm.s32 $0x8060;
	v8 =	vshra.s32 v6, $0x1F;
	v10 =	vshra.s32 v3, $0x1F;
	v9 =	vshra.s32 v4, $0x1F  }
.LBB2_28:
0x176: {  	v11 =	vld [tilespmem:s3+$0x10];
	v10 =	vand.u32 $0x7FFFFFFF, v10;
	v12 =	vshra.s32 v5, $0x1F;
	v8 =	vand.u32 $0x7FFFFFFF, v8  }
0x177: {  	v9 =	vand.u32 $0x7FFFFFFF, v9;
	s1 =	sadd.s32 $0x4, s1;
	v13 =	vld [tilespmem:s3+$0x0];
	v10 =	vxor.u32 v3, v10;
	v12 =	vand.u32 $0x7FFFFFFF, v12  }
0x178: {  	v6 =	vxor.u32 v6, v8;
	p0 =	slt.u32 s1, $0x7FC;
	v3 =	vld [tilespmem:s3+$0xFFFFFFE0];
	vm0 =	vge.s32 v10, v2;
	v10 =	vxor.u32 v5, v12  }
.Ltmp18:
0x179: {  	v4 =	vxor.u32 v4, v9;
	v5 =	vld [tilespmem:s3+$0xFFFFFFF0];
	v8 =	vsel vm0, $0x1, v1;
	vm0 =	vge.s32 v10, v2;
	(pc) =	sbr.rel @p0 .LBB2_28-.Ltmp18, $4  }
0x17a: {  	v7 =	vadd.s32 v8, v7;
	v8 =	vsel vm0, $0x1, v1;
	vm0 =	vge.s32 v4, v2  }
0x17b: {  	v9 =	vadd.s32 v8, v7;
	v7 =	vsel vm0, $0x1, v1;
	vm0 =	vge.s32 v6, v2;
	v6 =	vmovc v11  }
0x17c: {  	v8 =	vshra.s32 v6, $0x1F;
	v7 =	vadd.s32 v7, v9;
	v11 =	vsel vm0, $0x1, v1;
	v4 =	vmovc v13  }
0x17d: {  	s3 =	sadd.s32 $0x40, s3;
	v10 =	vshra.s32 v3, $0x1F;
	v9 =	vshra.s32 v4, $0x1F;
	v7 =	vadd.s32 v11, v7  }
0x17e: {  	v10 =	vand.u32 $0x7FFFFFFF, v10;
	v11 =	vshra.s32 v5, $0x1F;
	v8 =	vand.u32 $0x7FFFFFFF, v8  }
0x17f: {  	v9 =	vand.u32 $0x7FFFFFFF, v9;
	v3 =	vxor.u32 v3, v10;
	v58 =	vand.u32 $0x7FFFFFFF, v11  }
0x180: {  	v59 =	vxor.u32 v6, v8;
	vm0 =	vge.s32 v3, v2;
	v3 =	vxor.u32 v5, v58  }
0x181: {  	v60 =	vsel vm0, $0x1, v1;
	vm13 =	vge.s32 v3, v2;
	v3 =	vxor.u32 v4, v9  }
0x182: {  	v61 =	vadd.s32 v60, v7;
	v62 =	vsel vm13, $0x1, v1;
	vm14 =	vge.s32 v3, v2  }
0x183: {  	vm15 =	vge.s32 v59, v2;
	v3 =	vadd.s32 v62, v61;
	v63 =	vsel vm14, $0x1, v1  }
0x184: {  	v2 =	vadd.s32 v63, v3;
	v3 =	vsel vm15, $0x1, v1  }
0x185: {  	v2 =	vadd.s32 v3, v2  }
0x186: {  	(xrf0) =	vadd.scan.msk.s32 $0xffff, v2;
	_ =	sdelay $0x5  }
0x187: {  	v2, _, _ =	vpop (xrf0)  }
0x188: {  	(v2sf) =	vpush v2, $0xF;
	_ =	sdelay $0xa  }
0x189: {  	s14 =	sadd.s32 $0x1, s14  }
0x18a: {  	p1 =	sne.s32 s14, $0x1F  }
.Ltmp19:
0x18b: {  	_ = 	snop;
	(pc) =	sbr.rel @p1 .LBB2_27-.Ltmp19, $4  }
.Ltmp20:
0x18c: {  	_ = 	snop;
	(pc) =	sbr.rel @!p1 .LBB2_30-.Ltmp20, $4  }
0x18d: {  	s1 =	spop (v2sf)  }
0x18e: {  	p0 =	sgt.s32 s1, $0x147  }
0x18f: {  	s8 =	smov.u32 @p0 s0  }
0x190: {  	_ = 	snop  }
.LBB2_26:
0x191: {  	(xrf0) =	vadd.scan.msk.s32 $0xffff, v3;
	_ =	sdelay $0x5  }
0x192: {  	v2, _, _ =	vpop (xrf0)  }
0x193: {  	(v2sf) =	vpush v2, $0xF;
	_ =	sdelay $0xa  }
0x194: {  	s9 =	sadd.s32 $0x1, s9  }
0x195: {  	p2 =	seq.s32 s9, $0x1E  }
.Ltmp21:
0x196: {  	_ = 	snop;
	(pc) =	sbr.rel @p2 .LBB2_30-.Ltmp21, $4  }
0x197: {  	_ = 	snop  }
0x198: {  	s2 =	spop (v2sf)  }
0x199: {  	p1 =	sgt.s32 s2, $0x147  }
0x19a: {  	s8 =	smov.u32 @p1 s11  }
.LBB2_20:
0x19b: {  	p2 =	sgt.u32 s1, $0x4  }
.Ltmp22:
0x19c: {  	s4 =	simm.s32 $0x17DA0;
	(pc) =	sbr.rel @!p2 .LBB2_21-.Ltmp22, $4  }
0x19d: {  	v7 =	vld [tilespmem:s4+$0xFFFFFFE0]  }
0x19e: {  	s2 =	sshrl.u32 s13, s9;
	v6 =	vld [tilespmem:s4+$0xFFFFFFF0]  }
0x19f: {  	s11 =	sadd.s32 s2, s8;
	v5 =	vld [tilespmem:s4+$0x0]  }
0x1a0: {  	v3 =	vimm.s32 $0x0;
	p1 =	por $0x0, $0x0;
	v4 =	vld [tilespmem:s4+$0x10];
	v2 =	vmov s11  }
0x1a1: {  	p2 =	sgt.u32 s1, $0x8  }
.Ltmp23:
0x1a2: {  	s4 =	simm.s32 $0x17DE0;
	vm0 =	vge.s32 v7, v2;
	(pc) =	sbr.rel @!p2 .LBB2_24-.Ltmp23, $4  }
0x1a3: {  	v7 =	vld [tilespmem:s4+$0xFFFFFFE0];
	v8 =	vsel vm0, $0x1, v1;
	vm13 =	vge.s32 v6, v2  }
0x1a4: {  	v6 =	vld [tilespmem:s4+$0xFFFFFFF0];
	v8 =	vadd.s32 v8, v3;
	v9 =	vsel vm13, $0x1, v1;
	vm14 =	vge.s32 v5, v2  }
0x1a5: {  	v5 =	vld [tilespmem:s4+$0x0];
	v8 =	vadd.s32 v9, v8;
	v9 =	vsel vm14, $0x1, v1;
	vm15 =	vge.s32 v4, v2  }
0x1a6: {  	s5 =	simm.s32 $0x8;
	p1 =	por $0x1, $0x1;
	v4 =	vld [tilespmem:s4+$0x10];
	v8 =	vadd.s32 v9, v8;
	v9 =	vsel vm15, $0x1, v1  }
.LBB2_23:
0x1a7: {  	s5 =	sadd.s32 $0x4, s5  }
0x1a8: {  	v8 =	vadd.s32 v9, v8;
	p2 =	slt.u32 s5, s1  }
.Ltmp24:
0x1a9: {  	s4 =	sadd.s32 $0x40, s4;
	vm0 =	vge.s32 v7, v2;
	(pc) =	sbr.rel @p2 .LBB2_23-.Ltmp24, $4  }
0x1aa: {  	v7 =	vld [tilespmem:s4+$0xFFFFFFE0];
	v9 =	vsel vm0, $0x1, v1;
	vm0 =	vge.s32 v6, v2  }
0x1ab: {  	v6 =	vld [tilespmem:s4+$0xFFFFFFF0];
	v8 =	vadd.s32 v9, v8;
	v9 =	vsel vm0, $0x1, v1;
	vm0 =	vge.s32 v5, v2  }
0x1ac: {  	v5 =	vld [tilespmem:s4+$0x0];
	v8 =	vadd.s32 v9, v8;
	v9 =	vsel vm0, $0x1, v1;
	vm0 =	vge.s32 v4, v2  }
0x1ad: {  	v4 =	vld [tilespmem:s4+$0x10];
	v8 =	vadd.s32 v9, v8;
	v9 =	vsel vm0, $0x1, v1  }
.LBB2_24:
0x1ae: {  	_ = 	snop  }
0x1af: {  	v8 =	vadd.s32 @p1 v9, v8;
	vm0 =	vge.s32 v7, v2  }
.Ltmp25:
0x1b0: {  	v3 =	vpsel p1, v8, v3;
	v7 =	vsel vm0, $0x1, v1;
	vm13 =	vge.s32 v6, v2;
	(pc) =	sbr.rel @p0 .LBB2_26-.Ltmp25, $4  }
0x1b1: {  	v3 =	vadd.s32 v7, v3;
	v6 =	vsel vm13, $0x1, v1;
	vm14 =	vge.s32 v5, v2  }
0x1b2: {  	v3 =	vadd.s32 v6, v3;
	v5 =	vsel vm14, $0x1, v1;
	vm15 =	vge.s32 v4, v2  }
0x1b3: {  	v3 =	vadd.s32 v5, v3;
	v4 =	vsel vm15, $0x1, v1  }
0x1b4: {  	s4 =	smov.u32 s3;
	s5 =	smov.u32 s1;
	v3 =	vadd.s32 v4, v3  }
.LBB2_25:
0x1b5: {  	v4 =	vld [tilespmem:s4+$0x0]  }
0x1b6: {  	s5 =	sadd.s32 $0x1, s5  }
0x1b7: {  	p1 =	slt.u32 s5, s0  }
.Ltmp26:
0x1b8: {  	_ = 	snop;
	(pc) =	sbr.rel @p1 .LBB2_25-.Ltmp26, $4  }
0x1b9: {  	_ = 	snop  }
0x1ba: {  	vm0 =	vge.s32 v4, v2  }
0x1bb: {  	v4 =	vsel vm0, $0x1, v1  }
0x1bc: {  	s4 =	sadd.s32 $0x10, s4;
	v3 =	vadd.s32 v4, v3  }
.Ltmp27:
0x1bd: {  	_ = 	snop;
	(pc) =	sbr.rel .LBB2_26-.Ltmp27, $1  }
0x1be: {  	_ =	sdelay $0x3  }
.LBB2_21:
.Ltmp28:
0x1bf: {  	(pc) =	sbr.rel .LBB2_24-.Ltmp28, $2  }
0x1c0: {  	_ =	sdelay $0x2  }
0x1c1: {  	_ = 	snop  }
.LBB2_31:
0x1c2: {  	_ =	sfence.sel $0x180000  }
0x1c3: {  	[bflag:$0x0] =	sbarrier.arrive $0xFFFF  }
0x1c4: {  	_ =	strace $0x90000047  }
0x1c5: {  	s0 =	stileid.u32;
	[bflag:$0x2] =	sbarrier.arrive $0xFFFF  }
0x1c6: {  	p0 =	sne.s32 s0, $0x0;
	s0 =	rddreg [dreg:$0x2]  }
0x1c7: {  	s0 =	sadd.s32 @!p0 $0x100000, s0  }
0x1c8: {  	[sflag:s0] =	ssyncadd.tile.s32 @!p0 $0x1;
	_ =	shalt  }
.Lfunc_end2:
_tile_overlayer_lowered:
.L_overlay_start_2:
0x1c9: {  	(tag) =	ssettag $0x2  }
0x1ca: {  	s0 =	rddreg [dreg:$0x0];
	s2 =	stileid.u32  }
0x1cb: {  	s1 =	rddreg [dreg:$0x1];
	p0 =	sne.s32 s2, $0x0  }
0x1cc: {  	s3 =	rddreg [dreg:$0x2];
	[bflag:$0x3] =	sbarrier.arrive $0xFFFF;
	s2 =	simm.s32 @!p0 $0x1C02  }
0x1cd: {  	[timem:s3], [sflag:s2] =	dma.local @!p0 [hbm:s0], s1  }
0x1ce: {  	s0 =	simm.s32 @!p0 $0x2  }
0x1cf: {  	_ =	swait.ge @!p0 [sflag:s0], s1  }
0x1d0: {  	s1 =	ssub.s32 @!p0 $0x0, s1;
	[sflag:s0] =	ssyncset.done @!p0 $0x0  }
0x1d1: {  	[sflag:s0] =	ssyncadd.s32 @!p0 s1  }
0x1d2: {  	[bflag:$0x3] =	sbarrier.arrive $0xFFFF  }
0x1d3: {  	_ =	shalt  }

</sc_bundles>
